<compile_context>
chip_gen: v7x
topology: tpu7x:2x2x1
jax: 0.10.2.dev20260603
libtpu: 0.0.44.dev20260713+nightly
codegen_flags: <defaults>
</compile_context>

<pallas_src>
import functools

import jax
import jax.numpy as jnp
from jax import lax
from jax.experimental import pallas as pl
from jax.experimental.pallas import tpu as pltpu
from jax.experimental.pallas import tpu_sc as plsc

F32 = jnp.float32
I32 = jnp.int32
BF16 = jnp.bfloat16

T = 2048
D = 768
F = 1024
E = 16
TM = 256
NT = T // TM
NS = 2 * NT + E
BLK = 256
RB = T // 32


def _router_body(x_ref, gw_ref, bias_ref, idx_ref, pos_ref, rw_ref,
                 counts_ref, stats_ref, meta_ref):
    x = x_ref[...]
    gw = gw_ref[...]
    bias = bias_ref[...]
    logits = lax.dot_general(x, gw, (((1,), (1,)), ((), ())),
                             preferred_element_type=F32) + bias
    m = jnp.max(logits, axis=1, keepdims=True)
    iota_e = lax.broadcasted_iota(I32, (T, E), 1)
    idx = jnp.min(jnp.where(logits == m, iota_e, E), axis=1, keepdims=True)
    idx_ref[...] = idx
    rw_ref[...] = jnp.ones((T, 1), F32)

    onehot = (idx == lax.broadcasted_iota(I32, (T, E), 1)).astype(F32)
    counts = jnp.sum(onehot, axis=0, keepdims=True)
    counts_ref[...] = counts

    meanc = jnp.sum(counts) / E
    stdc = jnp.sqrt(jnp.sum((counts - meanc) ** 2) / (E - 1))
    lb = stdc / (meanc + 1e-6)
    sl = lax.broadcasted_iota(I32, (1, E), 1)
    stats_ref[...] = jnp.where(
        sl == 0, lb, jnp.where(sl == 1, jnp.max(counts),
                               jnp.where(sl == 2, jnp.min(counts), 0.0)))

    ir = lax.broadcasted_iota(I32, (E, E), 0)
    ic = lax.broadcasted_iota(I32, (E, E), 1)
    tri_incl = (ir <= ic).astype(F32)
    ends_f = jnp.dot(counts, tri_incl, preferred_element_type=F32)
    starts_f = ends_f - counts

    nb = T // BLK
    br = lax.broadcasted_iota(I32, (BLK, BLK), 0)
    bc = lax.broadcasted_iota(I32, (BLK, BLK), 1)
    tri_strict = (br > bc).astype(F32)

    def blk_body(bi, run):
        idx_b = idx_ref[pl.ds(bi * BLK, BLK), :]
        oh = (idx_b == lax.broadcasted_iota(I32, (BLK, E), 1)).astype(F32)
        csum = jnp.dot(tri_strict, oh, preferred_element_type=F32)
        posb = jnp.sum(oh * (csum + run + starts_f), axis=1, keepdims=True)
        pos_ref[pl.ds(bi * BLK, BLK), :] = posb.astype(I32)
        return run + jnp.sum(oh, axis=0, keepdims=True)

    lax.fori_loop(0, nb, blk_body, jnp.zeros((1, E), F32))

    ends_row = ends_f
    tile_lo = (lax.broadcasted_iota(I32, (NT, 1), 0) * TM).astype(F32)
    fe = jnp.sum((ends_row <= tile_lo).astype(F32), axis=1, keepdims=True)
    le = jnp.sum((ends_row <= tile_lo + (TM - 1)).astype(F32), axis=1,
                 keepdims=True)
    n_t = le - fe + 1.0
    steps_t = n_t + 1.0
    tr = lax.broadcasted_iota(I32, (NT, NT), 0)
    tc = lax.broadcasted_iota(I32, (NT, NT), 1)
    tri_nt = (tr < tc).astype(F32)
    steps_row = jnp.reshape(steps_t, (1, NT))
    ss_row = jnp.dot(steps_row, tri_nt, preferred_element_type=F32)
    total = jnp.sum(steps_row)

    s_col = lax.broadcasted_iota(I32, (NS, 1), 0).astype(F32)
    ss_end_row = ss_row + steps_row
    t_s = jnp.sum((ss_end_row <= s_col).astype(F32), axis=1, keepdims=True)
    t_s = jnp.minimum(t_s, float(NT - 1))
    oh_t = (jnp.reshape(lax.broadcasted_iota(I32, (1, NT), 1), (1, NT))
            .astype(F32) == t_s).astype(F32)
    ss_s = jnp.sum(oh_t * ss_row, axis=1, keepdims=True)
    fe_s = jnp.sum(oh_t * jnp.reshape(fe, (1, NT)), axis=1, keepdims=True)
    le_s = jnp.sum(oh_t * jnp.reshape(le, (1, NT)), axis=1, keepdims=True)
    n_s = jnp.sum(oh_t * jnp.reshape(n_t, (1, NT)), axis=1, keepdims=True)
    o_s = s_col - ss_s
    valid = s_col < total
    routed = valid & (o_s < n_s)
    shared = valid & (o_s == n_s)
    e_s = jnp.clip(fe_s + o_s, 0.0, float(E - 1))
    le_last = jnp.max(le)
    rw_s = jnp.where(routed, e_s, jnp.where(shared, le_s, le_last))
    rw_s = jnp.clip(rw_s, 0.0, float(E - 1))
    oh_e = (jnp.reshape(lax.broadcasted_iota(I32, (1, E), 1), (1, E))
            .astype(F32) == e_s).astype(F32)
    gstart = jnp.sum(oh_e * starts_f, axis=1, keepdims=True)
    gend = jnp.sum(oh_e * ends_row, axis=1, keepdims=True)
    lo = t_s * TM
    hi = lo + TM
    m_start = jnp.where(routed, jnp.maximum(gstart, lo),
                        jnp.where(shared, lo, 0.0))
    m_end = jnp.where(routed, jnp.minimum(gend, hi),
                      jnp.where(shared, hi, 0.0))
    first = ((s_col == ss_s) & valid).astype(F32)

    sr = lax.broadcasted_iota(I32, (NS, NS), 0)
    sc2 = lax.broadcasted_iota(I32, (NS, NS), 1)
    shift = (sr == sc2 + 1).astype(F32)
    prev_rw = jnp.dot(shift, rw_s, preferred_element_type=F32)
    new_rw = ((s_col == 0.0) | (rw_s != prev_rw)).astype(F32)
    tril_ns = (sr >= sc2).astype(F32)
    cum_shared = jnp.dot(tril_ns, shared.astype(F32),
                         preferred_element_type=F32)
    shared_first = (shared & (cum_shared == 1.0)).astype(F32)

    rows = [t_s, rw_s, m_start, m_end, shared.astype(F32), first,
            new_rw, shared_first]
    meta = jnp.concatenate([jnp.reshape(r, (1, NS)) for r in rows], axis=0)
    meta_ref[...] = meta.astype(I32)


def _router(xf, gate_w, expert_bias):
    out_shapes = (
        jax.ShapeDtypeStruct((T, 1), I32),
        jax.ShapeDtypeStruct((T, 1), I32),
        jax.ShapeDtypeStruct((T, 1), F32),
        jax.ShapeDtypeStruct((1, E), F32),
        jax.ShapeDtypeStruct((1, E), F32),
        jax.ShapeDtypeStruct((8, NS), I32),
    )
    return pl.pallas_call(_router_body, out_shape=out_shapes)(
        xf, gate_w, expert_bias.reshape(1, E))


def _ffn_tile(xw, wg, wu, wd):
    xb = xw.astype(BF16)
    g = lax.dot_general(xb, wg, (((1,), (1,)), ((), ())),
                        preferred_element_type=F32)
    u = lax.dot_general(xb, wu, (((1,), (1,)), ((), ())),
                        preferred_element_type=F32)
    h = (jax.nn.silu(g) * u).astype(BF16)
    return lax.dot_general(h, wd, (((1,), (1,)), ((), ())),
                           preferred_element_type=F32)


def _gmm_body(meta_ref, xs_ref, rwg_ref, rwu_ref, rwd_ref,
              swg_ref, swu_ref, swd_ref, out_ref,
              wgb_ref, wub_ref, wdb_ref, sgb_ref, sub_ref, sdb_ref):
    s = pl.program_id(0)
    t = meta_ref[0, s]
    start = meta_ref[2, s]
    end = meta_ref[3, s]
    is_shared = meta_ref[4, s] == 1
    first = meta_ref[5, s] == 1

    @pl.when(meta_ref[6, s] == 1)
    def _convert_routed():
        wgb_ref[...] = rwg_ref[0].astype(BF16)
        wub_ref[...] = rwu_ref[0].astype(BF16)
        wdb_ref[...] = rwd_ref[0].astype(BF16)

    @pl.when(meta_ref[7, s] == 1)
    def _convert_shared():
        sgb_ref[...] = swg_ref[...].astype(BF16)
        sub_ref[...] = swu_ref[...].astype(BF16)
        sdb_ref[...] = swd_ref[...].astype(BF16)

    @pl.when(first)
    def _zero():
        out_ref[...] = jnp.zeros_like(out_ref)

    rows = t * TM + lax.broadcasted_iota(I32, (TM, 1), 0)
    active = (rows >= start) & (rows < end)
    nonempty = end > start

    @pl.when(nonempty & jnp.logical_not(is_shared))
    def _routed():
        xw = jnp.where(active, xs_ref[...], 0.0)
        out_ref[...] += _ffn_tile(xw, wgb_ref[...], wub_ref[...], wdb_ref[...])

    @pl.when(nonempty & is_shared)
    def _shared():
        xw = jnp.where(active, xs_ref[...], 0.0)
        out_ref[...] += _ffn_tile(xw, sgb_ref[...], sub_ref[...], sdb_ref[...])


def _gmm(meta, xs, rwg, rwu, rwd, swg, swu, swd):
    grid_spec = pltpu.PrefetchScalarGridSpec(
        num_scalar_prefetch=1,
        grid=(NS,),
        in_specs=[
            pl.BlockSpec((TM, D), lambda s, m: (m[0, s], 0)),
            pl.BlockSpec((1, F, D), lambda s, m: (m[1, s], 0, 0)),
            pl.BlockSpec((1, F, D), lambda s, m: (m[1, s], 0, 0)),
            pl.BlockSpec((1, D, F), lambda s, m: (m[1, s], 0, 0)),
            pl.BlockSpec((F, D), lambda s, m: (0, 0)),
            pl.BlockSpec((F, D), lambda s, m: (0, 0)),
            pl.BlockSpec((D, F), lambda s, m: (0, 0)),
        ],
        out_specs=pl.BlockSpec((TM, D), lambda s, m: (m[0, s], 0)),
        scratch_shapes=[
            pltpu.VMEM((F, D), BF16),
            pltpu.VMEM((F, D), BF16),
            pltpu.VMEM((D, F), BF16),
            pltpu.VMEM((F, D), BF16),
            pltpu.VMEM((F, D), BF16),
            pltpu.VMEM((D, F), BF16),
        ],
    )
    return pl.pallas_call(
        _gmm_body,
        grid_spec=grid_spec,
        out_shape=jax.ShapeDtypeStruct((T, D), F32),
        compiler_params=pltpu.CompilerParams(
            dimension_semantics=("arbitrary",)),
    )(meta, xs, rwg, rwu, rwd, swg, swu, swd)


def _make_sc_info():
    info = plsc.get_sparse_core_info()
    return info.num_cores, info.num_subcores


def _dispatch(xf, pos):
    nc, ns = _make_sc_info()
    mesh = plsc.VectorSubcoreMesh(core_axis_name="c", subcore_axis_name="s")

    @functools.partial(
        pl.kernel, mesh=mesh,
        out_type=jax.ShapeDtypeStruct((T, D), F32),
        scratch_types=[
            pltpu.VMEM((T,), I32),
            pltpu.VMEM((T,), I32),
            pltpu.VMEM((RB,), I32),
            pltpu.VMEM((RB, D), F32),
            pltpu.SemaphoreType.DMA,
        ],
        compiler_params=pltpu.CompilerParams(needs_layout_passes=False),
    )
    def d_kernel(x_hbm, pos_hbm, xs_hbm, pos_v, perm_v, myidx_v, rows_v, sem):
        wid = lax.axis_index("s") * nc + lax.axis_index("c")
        base = wid * RB
        pltpu.sync_copy(pos_hbm, pos_v)

        def body(i, carry):
            pc = pos_v[pl.ds(i * 16, 16)]
            vals = lax.iota(I32, 16) + i * 16
            plsc.store_scatter(perm_v, [pc], vals)
            return carry

        lax.fori_loop(0, T // 16, body, 0)

        def copy_body(j, carry):
            myidx_v[pl.ds(j * 16, 16)] = perm_v[pl.ds(base + j * 16, 16)]
            return carry

        lax.fori_loop(0, RB // 16, copy_body, 0)
        pltpu.async_copy(x_hbm.at[myidx_v], rows_v, sem).wait()
        pltpu.sync_copy(rows_v, xs_hbm.at[pl.ds(base, RB)])

    return d_kernel(xf, pos)


def _unsort(ys, pos):
    nc, ns = _make_sc_info()
    mesh = plsc.VectorSubcoreMesh(core_axis_name="c", subcore_axis_name="s")

    @functools.partial(
        pl.kernel, mesh=mesh,
        out_type=jax.ShapeDtypeStruct((T, D), F32),
        scratch_types=[
            pltpu.VMEM((RB,), I32),
            pltpu.VMEM((RB, D), F32),
            pltpu.SemaphoreType.DMA,
        ],
        compiler_params=pltpu.CompilerParams(needs_layout_passes=False),
    )
    def u_kernel(ys_hbm, pos_hbm, out_hbm, idx_v, rows_v, sem):
        wid = lax.axis_index("s") * nc + lax.axis_index("c")
        base = wid * RB
        pltpu.sync_copy(pos_hbm.at[pl.ds(base, RB)], idx_v)
        pltpu.async_copy(ys_hbm.at[idx_v], rows_v, sem).wait()
        pltpu.sync_copy(rows_v, out_hbm.at[pl.ds(base, RB)])

    return u_kernel(ys, pos)


def kernel(x, gate_w, expert_bias, shared_gate_w, shared_up_w, shared_down_w,
           routed_gate_w, routed_up_w, routed_down_w):
    b, s, d = x.shape
    xf = x.reshape(T, D)

    idx, pos, rw, counts, stats, meta = _router(xf, gate_w, expert_bias)
    pos1 = pos.reshape(T)

    xs = _dispatch(xf, pos1)
    ys = _gmm(meta, xs, routed_gate_w, routed_up_w, routed_down_w,
              shared_gate_w, shared_up_w, shared_down_w)
    out = _unsort(ys, pos1).reshape(b, s, d)

    counts_v = counts.reshape(E)
    load_balance = stats[0, 0]
    cmax = stats[0, 1]
    cmin = stats[0, 2]
    return (out,
            rw.reshape(b, s, 1),
            idx.reshape(b, s, 1),
            counts_v,
            load_balance,
            cmax,
            cmin)

# --- scband reference (transcript-rebuilt; emitter-appended) ---
"""Pipeline reference for scband-deep-seek-mo-e-90744069029991 (READ-ONLY COPY).

The authoritative reference and input builder live on the scoring server;
editing this copy changes nothing except your own understanding.
"""

import jax, jax.numpy as jnp
import numpy as np

B, S, D_MODEL = 1, 2048, 768
D_FFN = 1024
E = 16
K = 1


def setup_inputs(seed: int = 0) -> dict:
    key = jax.random.key(seed)
    ks = jax.random.split(key, 9)
    x = jax.random.normal(ks[0], (B, S, D_MODEL), dtype=jnp.float32)
    gate_w = jax.random.normal(ks[1], (E, D_MODEL), dtype=jnp.float32) * 0.02
    expert_bias = jnp.zeros((E,), dtype=jnp.float32)
    shared_gate_w = jax.random.normal(ks[2], (D_FFN, D_MODEL), dtype=jnp.float32) * 0.02
    shared_up_w = jax.random.normal(ks[3], (D_FFN, D_MODEL), dtype=jnp.float32) * 0.02
    shared_down_w = jax.random.normal(ks[4], (D_MODEL, D_FFN), dtype=jnp.float32) * 0.02
    routed_gate_w = jax.random.normal(ks[5], (E, D_FFN, D_MODEL), dtype=jnp.float32) * 0.02
    routed_up_w = jax.random.normal(ks[6], (E, D_FFN, D_MODEL), dtype=jnp.float32) * 0.02
    routed_down_w = jax.random.normal(ks[7], (E, D_MODEL, D_FFN), dtype=jnp.float32) * 0.02
    return {
        'x': x,
        'gate_w': gate_w,
        'expert_bias': expert_bias,
        'shared_gate_w': shared_gate_w,
        'shared_up_w': shared_up_w,
        'shared_down_w': shared_down_w,
        'routed_gate_w': routed_gate_w,
        'routed_up_w': routed_up_w,
        'routed_down_w': routed_down_w,
    }


def _ffn(x, wg, wu, wd):
    # torch nn.Linear convention: y = x @ W.T; SwiGLU expert
    g = x @ wg.T
    u = x @ wu.T
    h = jax.nn.silu(g) * u
    return h @ wd.T


def reference(x, gate_w, expert_bias, shared_gate_w, shared_up_w, shared_down_w,
              routed_gate_w, routed_up_w, routed_down_w):
    b, s, d = x.shape
    xf = x.reshape(-1, d)  # [T, d_model]
    # --- AuxiliaryLossFreeRouter (eval mode: no bias update) ---
    logits = xf @ gate_w.T + expert_bias  # [T, E]
    vals, idx = jax.lax.top_k(logits, K)  # [T, K] each, descending like torch.topk
    routing_weights = jax.nn.softmax(vals, axis=-1)  # softmax over top-k logits
    # --- routed experts: per-token weighted combine ---
    onehot = jax.nn.one_hot(idx, E, dtype=xf.dtype)  # [T, K, E]
    combine_w = jnp.einsum('tk,tke->te', routing_weights, onehot)  # [T, E]
    routed = jnp.zeros_like(xf)
    for e in range(E):
        routed = routed + combine_w[:, e:e + 1] * _ffn(xf, routed_gate_w[e], routed_up_w[e], routed_down_w[e])
    # --- shared expert (always active) ---
    shared = _ffn(xf, shared_gate_w, shared_up_w, shared_down_w)
    out = (shared + routed).reshape(b, s, d)
    # --- load stats (expert_counts via bincount == per-expert equality sum) ---
    counts = jnp.bincount(idx.reshape(-1), length=E).astype(jnp.float32)
    load_balance = jnp.std(counts, ddof=1) / (jnp.mean(counts) + 1e-6)
    return (out,
            routing_weights.reshape(b, s, K),
            idx.reshape(b, s, K),
            counts,
            load_balance,
            counts.max(),
            counts.min())

if __name__ == "__main__":
    import jax
    _d = setup_inputs()
    print(jax.jit(kernel)(*tuple(_d.values())))

</pallas_src>

<mosaic_0001>
#map = affine_map<(d0, d1) -> (0, 0)>
#map1 = affine_map<(d0, d1) -> (0)>
module attributes {stable_mosaic.version = 14 : i64} {
  func.func @d_kernel(%arg0: i32, %arg1: i32, %arg2: memref<2048x768xf32, #tpu.memory_space<hbm>>, %arg3: memref<2048xi32, #tpu.memory_space<hbm>>, %arg4: memref<2048x768xf32, #tpu.memory_space<hbm>>, %arg5: memref<2048xi32, #tpu.memory_space<vmem>>, %arg6: memref<2048xi32, #tpu.memory_space<vmem>>, %arg7: memref<64xi32, #tpu.memory_space<vmem>>, %arg8: memref<64x768xf32, #tpu.memory_space<vmem>>, %arg9: memref<!tpu.dma_semaphore, #tpu.memory_space<semaphore_mem>>) attributes {dimension_semantics = [#tpu.dimension_semantics<core_parallel>, #tpu.dimension_semantics<subcore_parallel>], iteration_bounds = array<i64: 2, 16>, scalar_prefetch = 0 : i64, scratch_operands = 5 : i64, tpu.core_type = #tpu.core_type<sc_vector_subcore>, window_params = [{transform_indices = #map}, {transform_indices = #map1}, {transform_indices = #map}]} {
    %mul3A = arith.constant 2 : i32
    %mul3A_0 = arith.muli %arg1, %mul3A : i32
    %add3A = arith.addi %mul3A_0, %arg0 : i32
    %mul3A_1 = arith.constant 64 : i32
    %mul3A_2 = arith.muli %add3A, %mul3A_1 : i32
    "tpu.region"() ({
      %run_scoped3A = tpu.sem_alloc : memref<!tpu.dma_semaphore, #tpu.memory_space<semaphore_mem>>
      tpu.enqueue_dma source(%arg3 : memref<2048xi32, #tpu.memory_space<hbm>>) target(%arg5 : memref<2048xi32, #tpu.memory_space<vmem>>) target_semaphore(%run_scoped3A : memref<!tpu.dma_semaphore, #tpu.memory_space<semaphore_mem>>)
      tpu.wait_dma2 semaphore(%run_scoped3A : memref<!tpu.dma_semaphore, #tpu.memory_space<semaphore_mem>>) src(%arg3 : memref<2048xi32, #tpu.memory_space<hbm>>) dst(%arg5 : memref<2048xi32, #tpu.memory_space<vmem>>)
      tpu.yield
    }) : () -> ()
    %scan3A = arith.constant 0 : i32
    %scan3A_3 = arith.constant 0 : i32
    %scan3A_4 = arith.constant 128 : i32
    %scan3A_5 = arith.addi %scan3A_3, %scan3A_4 : i32
    %scan3A_6 = arith.constant 1 : i32
    scf.for %scan3A_18 = %scan3A_3 to %scan3A_5 step %scan3A_6  : i32 {
      %mul3A_19 = arith.constant 16 : i32
      %mul3A_20 = arith.muli %scan3A_18, %mul3A_19 : i32
      %get3A = arith.index_cast %mul3A_20 : i32 to index
      %get3A_21 = tpu.vector_load %arg5[%get3A] {strides = array<i32>} : memref<2048xi32, #tpu.memory_space<vmem>>, vector<16xi32>,
      %iota3A = tpu.iota {dimensions = array<i32: 0>} : vector<16xi32>
      %mul3A_22 = arith.constant 16 : i32
      %mul3A_23 = arith.muli %scan3A_18, %mul3A_22 : i32
      %add3A_24 = vector.broadcast %mul3A_23 : i32 to vector<16xi32>
      %add3A_25 = arith.addi %iota3A, %add3A_24 : vector<16xi32>
      tpu.vector_store_idx %arg6[%get3A_21], %add3A_25 : memref<2048xi32, #tpu.memory_space<vmem>>[vector<16xi32>], vector<16xi32>,
    }
    %scan3A_7 = arith.constant 128 : i32
    %scan3A_8 = arith.constant 0 : i32
    %scan3A_9 = arith.constant 0 : i32
    %scan3A_10 = arith.constant 4 : i32
    %scan3A_11 = arith.addi %scan3A_9, %scan3A_10 : i32
    %scan3A_12 = arith.constant 1 : i32
    scf.for %scan3A_18 = %scan3A_9 to %scan3A_11 step %scan3A_12  : i32 {
      %mul3A_19 = arith.constant 16 : i32
      %mul3A_20 = arith.muli %scan3A_18, %mul3A_19 : i32
      %add3A_21 = arith.addi %mul3A_2, %mul3A_20 : i32
      %get3A = arith.index_cast %add3A_21 : i32 to index
      %get3A_22 = tpu.vector_load %arg6[%get3A] {strides = array<i32>} : memref<2048xi32, #tpu.memory_space<vmem>>, vector<16xi32>,
      %mul3A_23 = arith.constant 16 : i32
      %mul3A_24 = arith.muli %scan3A_18, %mul3A_23 : i32
      %swap3A = arith.index_cast %mul3A_24 : i32 to index
      %swap3A_25 = tpu.vector_load %arg7[%swap3A] {strides = array<i32>} : memref<64xi32, #tpu.memory_space<vmem>>, vector<16xi32>,
      tpu.vector_store %arg7[%swap3A], %get3A_22 {strides = array<i32>} : memref<64xi32, #tpu.memory_space<vmem>>, vector<16xi32>,
    }
    %scan3A_13 = arith.constant 4 : i32
    %dma_start3A = arith.constant 0 : i32
    %dma_start3A_14 = arith.constant 0 : i32
    %dma_start3A_15 = tpu.memref_slice %arg2[%dma_start3A, %dma_start3A_14] : memref<2048x768xf32, #tpu.memory_space<hbm>> -> memref<2048x768xf32, #tpu.memory_space<hbm>>
    tpu.enqueue_indirect_dma source(%dma_start3A_15 : memref<2048x768xf32, #tpu.memory_space<hbm>>) target(%arg8 : memref<64x768xf32, #tpu.memory_space<vmem>>) offsets(%arg7 : memref<64xi32, #tpu.memory_space<vmem>>) semaphore(%arg9 : memref<!tpu.dma_semaphore, #tpu.memory_space<semaphore_mem>>)
    %dma_wait3A = arith.constant 0 : i32
    %dma_wait3A_16 = arith.constant 0 : i32
    %dma_wait3A_17 = tpu.memref_slice %arg2[%dma_wait3A, %dma_wait3A_16] : memref<2048x768xf32, #tpu.memory_space<hbm>> -> memref<2048x768xf32, #tpu.memory_space<hbm>>
    tpu.wait_indirect_dma semaphore(%arg9 : memref<!tpu.dma_semaphore, #tpu.memory_space<semaphore_mem>>) src(%dma_wait3A_17 : memref<2048x768xf32, #tpu.memory_space<hbm>>) dst(%arg8 : memref<64x768xf32, #tpu.memory_space<vmem>>)
    "tpu.region"() ({
      %run_scoped3A = tpu.sem_alloc : memref<!tpu.dma_semaphore, #tpu.memory_space<semaphore_mem>>
      %dma_start3A_18 = arith.constant 0 : i32
      %dma_start3A_19 = tpu.memref_slice %arg4[%mul3A_2, %dma_start3A_18] : memref<2048x768xf32, #tpu.memory_space<hbm>> -> memref<64x768xf32, #tpu.memory_space<hbm>>
      %dma_start3A_20 = arith.constant 0 : i32
      %dma_start3A_21 = tpu.memref_slice %arg4[%mul3A_2, %dma_start3A_20] : memref<2048x768xf32, #tpu.memory_space<hbm>> -> memref<64x768xf32, #tpu.memory_space<hbm>>
      tpu.enqueue_dma source(%arg8 : memref<64x768xf32, #tpu.memory_space<vmem>>) target(%dma_start3A_21 : memref<64x768xf32, #tpu.memory_space<hbm>>) target_semaphore(%run_scoped3A : memref<!tpu.dma_semaphore, #tpu.memory_space<semaphore_mem>>)
      %dma_wait3A_22 = arith.constant 0 : i32
      %dma_wait3A_23 = tpu.memref_slice %arg4[%mul3A_2, %dma_wait3A_22] : memref<2048x768xf32, #tpu.memory_space<hbm>> -> memref<64x768xf32, #tpu.memory_space<hbm>>
      %dma_wait3A_24 = arith.constant 0 : i32
      %dma_wait3A_25 = tpu.memref_slice %arg4[%mul3A_2, %dma_wait3A_24] : memref<2048x768xf32, #tpu.memory_space<hbm>> -> memref<64x768xf32, #tpu.memory_space<hbm>>
      tpu.wait_dma2 semaphore(%run_scoped3A : memref<!tpu.dma_semaphore, #tpu.memory_space<semaphore_mem>>) src(%arg8 : memref<64x768xf32, #tpu.memory_space<vmem>>) dst(%dma_wait3A_25 : memref<64x768xf32, #tpu.memory_space<hbm>>)
      tpu.yield
    }) : () -> ()
    return
  }
}

#map = affine_map<(d0, d1) -> (0, 0)>
#map1 = affine_map<(d0, d1) -> (0)>
module attributes {stable_mosaic.version = 14 : i64} {
  func.func @u_kernel(%arg0: i32, %arg1: i32, %arg2: memref<2048x768xf32, #tpu.memory_space<hbm>>, %arg3: memref<2048xi32, #tpu.memory_space<hbm>>, %arg4: memref<2048x768xf32, #tpu.memory_space<hbm>>, %arg5: memref<64xi32, #tpu.memory_space<vmem>>, %arg6: memref<64x768xf32, #tpu.memory_space<vmem>>, %arg7: memref<!tpu.dma_semaphore, #tpu.memory_space<semaphore_mem>>) attributes {dimension_semantics = [#tpu.dimension_semantics<core_parallel>, #tpu.dimension_semantics<subcore_parallel>], iteration_bounds = array<i64: 2, 16>, scalar_prefetch = 0 : i64, scratch_operands = 3 : i64, tpu.core_type = #tpu.core_type<sc_vector_subcore>, window_params = [{transform_indices = #map}, {transform_indices = #map1}, {transform_indices = #map}]} {
    %mul3A = arith.constant 2 : i32
    %mul3A_0 = arith.muli %arg1, %mul3A : i32
    %add3A = arith.addi %mul3A_0, %arg0 : i32
    %mul3A_1 = arith.constant 64 : i32
    %mul3A_2 = arith.muli %add3A, %mul3A_1 : i32
    "tpu.region"() ({
      %run_scoped3A = tpu.sem_alloc : memref<!tpu.dma_semaphore, #tpu.memory_space<semaphore_mem>>
      %dma_start3A_7 = tpu.memref_slice %arg3[%mul3A_2] : memref<2048xi32, #tpu.memory_space<hbm>> -> memref<64xi32, #tpu.memory_space<hbm>>
      %dma_start3A_8 = tpu.memref_slice %arg3[%mul3A_2] : memref<2048xi32, #tpu.memory_space<hbm>> -> memref<64xi32, #tpu.memory_space<hbm>>
      tpu.enqueue_dma source(%dma_start3A_8 : memref<64xi32, #tpu.memory_space<hbm>>) target(%arg5 : memref<64xi32, #tpu.memory_space<vmem>>) target_semaphore(%run_scoped3A : memref<!tpu.dma_semaphore, #tpu.memory_space<semaphore_mem>>)
      %dma_wait3A_9 = tpu.memref_slice %arg3[%mul3A_2] : memref<2048xi32, #tpu.memory_space<hbm>> -> memref<64xi32, #tpu.memory_space<hbm>>
      %dma_wait3A_10 = tpu.memref_slice %arg3[%mul3A_2] : memref<2048xi32, #tpu.memory_space<hbm>> -> memref<64xi32, #tpu.memory_space<hbm>>
      tpu.wait_dma2 semaphore(%run_scoped3A : memref<!tpu.dma_semaphore, #tpu.memory_space<semaphore_mem>>) src(%dma_wait3A_10 : memref<64xi32, #tpu.memory_space<hbm>>) dst(%arg5 : memref<64xi32, #tpu.memory_space<vmem>>)
      tpu.yield
    }) : () -> ()
    %dma_start3A = arith.constant 0 : i32
    %dma_start3A_3 = arith.constant 0 : i32
    %dma_start3A_4 = tpu.memref_slice %arg2[%dma_start3A, %dma_start3A_3] : memref<2048x768xf32, #tpu.memory_space<hbm>> -> memref<2048x768xf32, #tpu.memory_space<hbm>>
    tpu.enqueue_indirect_dma source(%dma_start3A_4 : memref<2048x768xf32, #tpu.memory_space<hbm>>) target(%arg6 : memref<64x768xf32, #tpu.memory_space<vmem>>) offsets(%arg5 : memref<64xi32, #tpu.memory_space<vmem>>) semaphore(%arg7 : memref<!tpu.dma_semaphore, #tpu.memory_space<semaphore_mem>>)
    %dma_wait3A = arith.constant 0 : i32
    %dma_wait3A_5 = arith.constant 0 : i32
    %dma_wait3A_6 = tpu.memref_slice %arg2[%dma_wait3A, %dma_wait3A_5] : memref<2048x768xf32, #tpu.memory_space<hbm>> -> memref<2048x768xf32, #tpu.memory_space<hbm>>
    tpu.wait_indirect_dma semaphore(%arg7 : memref<!tpu.dma_semaphore, #tpu.memory_space<semaphore_mem>>) src(%dma_wait3A_6 : memref<2048x768xf32, #tpu.memory_space<hbm>>) dst(%arg6 : memref<64x768xf32, #tpu.memory_space<vmem>>)
    "tpu.region"() ({
      %run_scoped3A = tpu.sem_alloc : memref<!tpu.dma_semaphore, #tpu.memory_space<semaphore_mem>>
      %dma_start3A_7 = arith.constant 0 : i32
      %dma_start3A_8 = tpu.memref_slice %arg4[%mul3A_2, %dma_start3A_7] : memref<2048x768xf32, #tpu.memory_space<hbm>> -> memref<64x768xf32, #tpu.memory_space<hbm>>
      %dma_start3A_9 = arith.constant 0 : i32
      %dma_start3A_10 = tpu.memref_slice %arg4[%mul3A_2, %dma_start3A_9] : memref<2048x768xf32, #tpu.memory_space<hbm>> -> memref<64x768xf32, #tpu.memory_space<hbm>>
      tpu.enqueue_dma source(%arg6 : memref<64x768xf32, #tpu.memory_space<vmem>>) target(%dma_start3A_10 : memref<64x768xf32, #tpu.memory_space<hbm>>) target_semaphore(%run_scoped3A : memref<!tpu.dma_semaphore, #tpu.memory_space<semaphore_mem>>)
      %dma_wait3A_11 = arith.constant 0 : i32
      %dma_wait3A_12 = tpu.memref_slice %arg4[%mul3A_2, %dma_wait3A_11] : memref<2048x768xf32, #tpu.memory_space<hbm>> -> memref<64x768xf32, #tpu.memory_space<hbm>>
      %dma_wait3A_13 = arith.constant 0 : i32
      %dma_wait3A_14 = tpu.memref_slice %arg4[%mul3A_2, %dma_wait3A_13] : memref<2048x768xf32, #tpu.memory_space<hbm>> -> memref<64x768xf32, #tpu.memory_space<hbm>>
      tpu.wait_dma2 semaphore(%run_scoped3A : memref<!tpu.dma_semaphore, #tpu.memory_space<semaphore_mem>>) src(%arg6 : memref<64x768xf32, #tpu.memory_space<vmem>>) dst(%dma_wait3A_14 : memref<64x768xf32, #tpu.memory_space<hbm>>)
      tpu.yield
    }) : () -> ()
    return
  }
}

module attributes {stable_mosaic.version = 14 : i64} {
  func.func @_router_body(%arg0: memref<2048x768xf32, #tpu.memory_space<vmem>>, %arg1: memref<16x768xf32, #tpu.memory_space<vmem>>, %arg2: memref<1x16xf32, #tpu.memory_space<vmem>>, %arg3: memref<2048x1xi32, #tpu.memory_space<vmem>>, %arg4: memref<2048x1xi32, #tpu.memory_space<vmem>>, %arg5: memref<2048x1xf32, #tpu.memory_space<vmem>>, %arg6: memref<1x16xf32, #tpu.memory_space<vmem>>, %arg7: memref<1x16xf32, #tpu.memory_space<vmem>>, %arg8: memref<8x32xi32, #tpu.memory_space<vmem>>) attributes {dimension_semantics = [], scalar_prefetch = 0 : i64, scratch_operands = 0 : i64, tpu.core_type = #tpu.core_type<tc>} {
    %get3A = arith.constant 0 : index
    %get3A_0 = arith.constant 0 : index
    %get3A_1 = vector.load %arg0[%get3A, %get3A_0] : memref<2048x768xf32, #tpu.memory_space<vmem>>, vector<2048x768xf32>
    %get3A_2 = arith.constant 0 : index
    %get3A_3 = arith.constant 0 : index
    %get3A_4 = vector.load %arg1[%get3A_2, %get3A_3] : memref<16x768xf32, #tpu.memory_space<vmem>>, vector<16x768xf32>
    %get3A_5 = arith.constant 0 : index
    %get3A_6 = arith.constant 0 : index
    %get3A_7 = vector.load %arg2[%get3A_5, %get3A_6] : memref<1x16xf32, #tpu.memory_space<vmem>>, vector<1x16xf32>
    %dot_general3A = arith.constant dense<0.000000e+00> : vector<2048x16xf32>
    %dot_general3A_8 = tpu.matmul %get3A_1, %get3A_4, %dot_general3A {dimension_numbers = #tpu.dot_dimension_numbers<[1], [1], [0], [0], [0, 0, 1, 0], [], []>, transpose_lhs_hint = false} : vector<2048x768xf32>, vector<16x768xf32>, vector<2048x16xf32> -> vector<2048x16xf32>
    %add3A = vector.broadcast %get3A_7 : vector<1x16xf32> to vector<2048x16xf32>
    %add3A_9 = arith.addf %dot_general3A_8, %add3A : vector<2048x16xf32>
    %reduce_max3A = arith.constant dense<0xFF800000> : vector<2048xf32>
    %reduce_max3A_10 = vector.multi_reduction <maximumf>, %add3A_9, %reduce_max3A [1] : vector<2048x16xf32> to vector<2048xf32>
    %broadcast_in_dim3A = vector.shape_cast %reduce_max3A_10 : vector<2048xf32> to vector<2048x1xf32>
    %iota3A = tpu.iota {dimensions = array<i32: 1>} : vector<2048x16xi32>
    %eq3A = vector.broadcast %broadcast_in_dim3A : vector<2048x1xf32> to vector<2048x16xf32>
    %eq3A_11 = arith.cmpf oeq, %add3A_9, %eq3A : vector<2048x16xf32>
    %jit3A = arith.constant 16 : i32
    %broadcast_in_dim3A_12 = vector.broadcast %jit3A : i32 to vector<2048x16xi32>
    %select_n3A = arith.select %eq3A_11, %iota3A, %broadcast_in_dim3A_12 : vector<2048x16xi1>, vector<2048x16xi32>
    %reduce_min3A = arith.constant dense<2147483647> : vector<2048xi32>
    %reduce_min3A_13 = vector.multi_reduction <minsi>, %select_n3A, %reduce_min3A [1] : vector<2048x16xi32> to vector<2048xi32>
    %broadcast_in_dim3A_14 = vector.shape_cast %reduce_min3A_13 : vector<2048xi32> to vector<2048x1xi32>
    %swap3A = arith.constant 0 : index
    %swap3A_15 = arith.constant 0 : index
    %swap3A_16 = vector.load %arg3[%swap3A, %swap3A_15] : memref<2048x1xi32, #tpu.memory_space<vmem>>, vector<2048x1xi32>
    tpu.vector_store %arg3[%swap3A, %swap3A_15], %broadcast_in_dim3A_14 {strides = array<i32>} : memref<2048x1xi32, #tpu.memory_space<vmem>>, vector<2048x1xi32>,
    %broadcast_in_dim3A_17 = arith.constant 1.000000e+00 : f32
    %broadcast_in_dim3A_18 = vector.broadcast %broadcast_in_dim3A_17 : f32 to vector<2048x1xf32>
    %swap3A_19 = arith.constant 0 : index
    %swap3A_20 = arith.constant 0 : index
    %swap3A_21 = vector.load %arg5[%swap3A_19, %swap3A_20] : memref<2048x1xf32, #tpu.memory_space<vmem>>, vector<2048x1xf32>
    tpu.vector_store %arg5[%swap3A_19, %swap3A_20], %broadcast_in_dim3A_18 {strides = array<i32>} : memref<2048x1xf32, #tpu.memory_space<vmem>>, vector<2048x1xf32>,
    %iota3A_22 = tpu.iota {dimensions = array<i32: 1>} : vector<2048x16xi32>
    %eq3A_23 = vector.broadcast %broadcast_in_dim3A_14 : vector<2048x1xi32> to vector<2048x16xi32>
    %eq3A_24 = arith.cmpi eq, %eq3A_23, %iota3A_22 : vector<2048x16xi32>
    %convert_element_type3A = arith.extui %eq3A_24 : vector<2048x16xi1> to vector<2048x16xi32>
    %convert_element_type3A_25 = arith.sitofp %convert_element_type3A : vector<2048x16xi32> to vector<2048x16xf32>
    %reduce_sum3A = arith.constant dense<0.000000e+00> : vector<16xf32>
    %reduce_sum3A_26 = vector.multi_reduction <add>, %convert_element_type3A_25, %reduce_sum3A [0] : vector<2048x16xf32> to vector<16xf32>
    %broadcast_in_dim3A_27 = vector.shape_cast %reduce_sum3A_26 : vector<16xf32> to vector<1x16xf32>
    %swap3A_28 = arith.constant 0 : index
    %swap3A_29 = arith.constant 0 : index
    %swap3A_30 = vector.load %arg6[%swap3A_28, %swap3A_29] : memref<1x16xf32, #tpu.memory_space<vmem>>, vector<1x16xf32>
    tpu.vector_store %arg6[%swap3A_28, %swap3A_29], %broadcast_in_dim3A_27 {strides = array<i32>} : memref<1x16xf32, #tpu.memory_space<vmem>>, vector<1x16xf32>,
    %reduce_sum3A_31 = vector.shape_cast %broadcast_in_dim3A_27 : vector<1x16xf32> to vector<1x1x16xf32>
    %reduce_sum3A_32 = arith.constant dense<0.000000e+00> : vector<1xf32>
    %reduce_sum3A_33 = vector.multi_reduction <add>, %reduce_sum3A_31, %reduce_sum3A_32 [1, 2] : vector<1x1x16xf32> to vector<1xf32>
    %reduce_sum3A_34 = vector.shape_cast %reduce_sum3A_33 : vector<1xf32> to vector<1x1x1xf32>
    %reduce_sum3A_35 = vector.extract %reduce_sum3A_34[0, 0, 0] : f32 from vector<1x1x1xf32>
    %div3A = arith.constant 1.600000e+01 : f32
    %div3A_36 = arith.divf %reduce_sum3A_35, %div3A : f32
    %sub3A = vector.broadcast %div3A_36 : f32 to vector<1x16xf32>
    %sub3A_37 = arith.subf %broadcast_in_dim3A_27, %sub3A : vector<1x16xf32>
    %integer_pow3A = arith.mulf %sub3A_37, %sub3A_37 : vector<1x16xf32>
    %reduce_sum3A_38 = vector.shape_cast %integer_pow3A : vector<1x16xf32> to vector<1x1x16xf32>
    %reduce_sum3A_39 = arith.constant dense<0.000000e+00> : vector<1xf32>
    %reduce_sum3A_40 = vector.multi_reduction <add>, %reduce_sum3A_38, %reduce_sum3A_39 [1, 2] : vector<1x1x16xf32> to vector<1xf32>
    %reduce_sum3A_41 = vector.shape_cast %reduce_sum3A_40 : vector<1xf32> to vector<1x1x1xf32>
    %reduce_sum3A_42 = vector.extract %reduce_sum3A_41[0, 0, 0] : f32 from vector<1x1x1xf32>
    %div3A_43 = arith.constant 1.500000e+01 : f32
    %div3A_44 = arith.divf %reduce_sum3A_42, %div3A_43 : f32
    %sqrt3A = math.sqrt %div3A_44 : f32
    %add3A_45 = arith.constant 9.99999997E-7 : f32
    %add3A_46 = arith.addf %div3A_36, %add3A_45 : f32
    %div3A_47 = arith.divf %sqrt3A, %add3A_46 : f32
    %iota3A_48 = tpu.iota {dimensions = array<i32: 1>} : vector<1x16xi32>
    %eq3A_49 = arith.constant 0 : i32
    %eq3A_50 = vector.broadcast %eq3A_49 : i32 to vector<1x16xi32>
    %eq3A_51 = arith.cmpi eq, %iota3A_48, %eq3A_50 : vector<1x16xi32>
    %eq3A_52 = arith.constant 1 : i32
    %eq3A_53 = vector.broadcast %eq3A_52 : i32 to vector<1x16xi32>
    %eq3A_54 = arith.cmpi eq, %iota3A_48, %eq3A_53 : vector<1x16xi32>
    %reduce_max3A_55 = vector.shape_cast %broadcast_in_dim3A_27 : vector<1x16xf32> to vector<1x1x16xf32>
    %reduce_max3A_56 = arith.constant dense<0xFF800000> : vector<1xf32>
    %reduce_max3A_57 = vector.multi_reduction <maximumf>, %reduce_max3A_55, %reduce_max3A_56 [1, 2] : vector<1x1x16xf32> to vector<1xf32>
    %reduce_max3A_58 = vector.shape_cast %reduce_max3A_57 : vector<1xf32> to vector<1x1x1xf32>
    %reduce_max3A_59 = vector.extract %reduce_max3A_58[0, 0, 0] : f32 from vector<1x1x1xf32>
    %eq3A_60 = arith.constant 2 : i32
    %eq3A_61 = vector.broadcast %eq3A_60 : i32 to vector<1x16xi32>
    %eq3A_62 = arith.cmpi eq, %iota3A_48, %eq3A_61 : vector<1x16xi32>
    %reduce_min3A_63 = vector.shape_cast %broadcast_in_dim3A_27 : vector<1x16xf32> to vector<1x1x16xf32>
    %reduce_min3A_64 = arith.constant dense<0x7F800000> : vector<1xf32>
    %reduce_min3A_65 = vector.multi_reduction <minimumf>, %reduce_min3A_63, %reduce_min3A_64 [1, 2] : vector<1x1x16xf32> to vector<1xf32>
    %reduce_min3A_66 = vector.shape_cast %reduce_min3A_65 : vector<1xf32> to vector<1x1x1xf32>
    %reduce_min3A_67 = vector.extract %reduce_min3A_66[0, 0, 0] : f32 from vector<1x1x1xf32>
    %jit3A_68 = arith.constant 0.000000e+00 : f32
    %broadcast_in_dim3A_69 = vector.broadcast %reduce_min3A_67 : f32 to vector<1x16xf32>
    %broadcast_in_dim3A_70 = vector.broadcast %jit3A_68 : f32 to vector<1x16xf32>
    %select_n3A_71 = arith.select %eq3A_62, %broadcast_in_dim3A_69, %broadcast_in_dim3A_70 : vector<1x16xi1>, vector<1x16xf32>
    %broadcast_in_dim3A_72 = vector.broadcast %reduce_max3A_59 : f32 to vector<1x16xf32>
    %select_n3A_73 = arith.select %eq3A_54, %broadcast_in_dim3A_72, %select_n3A_71 : vector<1x16xi1>, vector<1x16xf32>
    %broadcast_in_dim3A_74 = vector.broadcast %div3A_47 : f32 to vector<1x16xf32>
    %select_n3A_75 = arith.select %eq3A_51, %broadcast_in_dim3A_74, %select_n3A_73 : vector<1x16xi1>, vector<1x16xf32>
    %swap3A_76 = arith.constant 0 : index
    %swap3A_77 = arith.constant 0 : index
    %swap3A_78 = vector.load %arg7[%swap3A_76, %swap3A_77] : memref<1x16xf32, #tpu.memory_space<vmem>>, vector<1x16xf32>
    tpu.vector_store %arg7[%swap3A_76, %swap3A_77], %select_n3A_75 {strides = array<i32>} : memref<1x16xf32, #tpu.memory_space<vmem>>, vector<1x16xf32>,
    %iota3A_79 = tpu.iota {dimensions = array<i32: 0>} : vector<16x16xi32>
    %iota3A_80 = tpu.iota {dimensions = array<i32: 1>} : vector<16x16xi32>
    %le3A = arith.cmpi sle, %iota3A_79, %iota3A_80 : vector<16x16xi32>
    %convert_element_type3A_81 = arith.extui %le3A : vector<16x16xi1> to vector<16x16xi32>
    %convert_element_type3A_82 = arith.sitofp %convert_element_type3A_81 : vector<16x16xi32> to vector<16x16xf32>
    %dot_general3A_83 = arith.constant dense<0.000000e+00> : vector<1x16xf32>
    %dot_general3A_84 = tpu.matmul %broadcast_in_dim3A_27, %convert_element_type3A_82, %dot_general3A_83 {dimension_numbers = #tpu.dot_dimension_numbers<[1], [0], [0], [1], [0, 0, 1, 1], [], []>, transpose_lhs_hint = false} : vector<1x16xf32>, vector<16x16xf32>, vector<1x16xf32> -> vector<1x16xf32>
    %sub3A_85 = arith.subf %dot_general3A_84, %broadcast_in_dim3A_27 : vector<1x16xf32>
    %iota3A_86 = tpu.iota {dimensions = array<i32: 0>} : vector<256x256xi32>
    %iota3A_87 = tpu.iota {dimensions = array<i32: 1>} : vector<256x256xi32>
    %gt3A = arith.cmpi sgt, %iota3A_86, %iota3A_87 : vector<256x256xi32>
    %convert_element_type3A_88 = arith.extui %gt3A : vector<256x256xi1> to vector<256x256xi32>
    %convert_element_type3A_89 = arith.sitofp %convert_element_type3A_88 : vector<256x256xi32> to vector<256x256xf32>
    %broadcast_in_dim3A_90 = arith.constant 0.000000e+00 : f32
    %broadcast_in_dim3A_91 = vector.broadcast %broadcast_in_dim3A_90 : f32 to vector<1x16xf32>
    %scan3A = arith.constant 0 : i32
    %scan3A_92 = arith.constant 8 : i32
    %scan3A_93 = arith.addi %scan3A, %scan3A_92 : i32
    %scan3A_94 = arith.constant 1 : i32
    %scan3A_95 = scf.for %scan3A_285 = %scan3A to %scan3A_93 step %scan3A_94 iter_args(%scan3A_286 = %broadcast_in_dim3A_91) -> (vector<1x16xf32>)  : i32 {
      %mul3A_287 = arith.constant 256 : i32
      %mul3A_288 = arith.muli %scan3A_285, %mul3A_287 : i32
      %get3A_289 = arith.index_cast %mul3A_288 : i32 to index
      %get3A_290 = arith.constant 0 : index
      %get3A_291 = vector.load %arg3[%get3A_289, %get3A_290] : memref<2048x1xi32, #tpu.memory_space<vmem>>, vector<256x1xi32>
      %iota3A_292 = tpu.iota {dimensions = array<i32: 1>} : vector<256x16xi32>
      %eq3A_293 = vector.broadcast %get3A_291 : vector<256x1xi32> to vector<256x16xi32>
      %eq3A_294 = arith.cmpi eq, %eq3A_293, %iota3A_292 : vector<256x16xi32>
      %convert_element_type3A_295 = arith.extui %eq3A_294 : vector<256x16xi1> to vector<256x16xi32>
      %convert_element_type3A_296 = arith.sitofp %convert_element_type3A_295 : vector<256x16xi32> to vector<256x16xf32>
      %dot_general3A_297 = arith.constant dense<0.000000e+00> : vector<256x16xf32>
      %dot_general3A_298 = tpu.matmul %convert_element_type3A_89, %convert_element_type3A_296, %dot_general3A_297 {dimension_numbers = #tpu.dot_dimension_numbers<[1], [0], [0], [1], [0, 0, 1, 1], [], []>, transpose_lhs_hint = false} : vector<256x256xf32>, vector<256x16xf32>, vector<256x16xf32> -> vector<256x16xf32>
      %add3A_299 = vector.broadcast %scan3A_286 : vector<1x16xf32> to vector<256x16xf32>
      %add3A_300 = arith.addf %dot_general3A_298, %add3A_299 : vector<256x16xf32>
      %add3A_301 = vector.broadcast %sub3A_85 : vector<1x16xf32> to vector<256x16xf32>
      %add3A_302 = arith.addf %add3A_300, %add3A_301 : vector<256x16xf32>
      %mul3A_303 = arith.mulf %convert_element_type3A_296, %add3A_302 : vector<256x16xf32>
      %reduce_sum3A_304 = arith.constant dense<0.000000e+00> : vector<256xf32>
      %reduce_sum3A_305 = vector.multi_reduction <add>, %mul3A_303, %reduce_sum3A_304 [1] : vector<256x16xf32> to vector<256xf32>
      %broadcast_in_dim3A_306 = vector.shape_cast %reduce_sum3A_305 : vector<256xf32> to vector<256x1xf32>
      %convert_element_type3A_307 = arith.fptosi %broadcast_in_dim3A_306 : vector<256x1xf32> to vector<256x1xi32>
      %mul3A_308 = arith.constant 256 : i32
      %mul3A_309 = arith.muli %scan3A_285, %mul3A_308 : i32
      %swap3A_310 = arith.index_cast %mul3A_309 : i32 to index
      %swap3A_311 = arith.constant 0 : index
      %swap3A_312 = vector.load %arg4[%swap3A_310, %swap3A_311] : memref<2048x1xi32, #tpu.memory_space<vmem>>, vector<256x1xi32>
      tpu.vector_store %arg4[%swap3A_310, %swap3A_311], %convert_element_type3A_307 {strides = array<i32>} : memref<2048x1xi32, #tpu.memory_space<vmem>>, vector<256x1xi32>,
      %reduce_sum3A_313 = arith.constant dense<0.000000e+00> : vector<16xf32>
      %reduce_sum3A_314 = vector.multi_reduction <add>, %convert_element_type3A_296, %reduce_sum3A_313 [0] : vector<256x16xf32> to vector<16xf32>
      %broadcast_in_dim3A_315 = vector.shape_cast %reduce_sum3A_314 : vector<16xf32> to vector<1x16xf32>
      %add3A_316 = arith.addf %scan3A_286, %broadcast_in_dim3A_315 : vector<1x16xf32>
      scf.yield %add3A_316 : vector<1x16xf32>
    }
    %scan3A_96 = arith.constant 8 : i32
    %iota3A_97 = tpu.iota {dimensions = array<i32: 0>} : vector<8x1xi32>
    %mul3A = arith.constant 256 : i32
    %mul3A_98 = vector.broadcast %mul3A : i32 to vector<8x1xi32>
    %mul3A_99 = arith.muli %iota3A_97, %mul3A_98 : vector<8x1xi32>
    %convert_element_type3A_100 = arith.sitofp %mul3A_99 : vector<8x1xi32> to vector<8x1xf32>
    %le3A_101 = vector.broadcast %dot_general3A_84 : vector<1x16xf32> to vector<8x16xf32>
    %le3A_102 = vector.broadcast %convert_element_type3A_100 : vector<8x1xf32> to vector<8x16xf32>
    %le3A_103 = arith.cmpf ole, %le3A_101, %le3A_102 : vector<8x16xf32>
    %convert_element_type3A_104 = arith.extui %le3A_103 : vector<8x16xi1> to vector<8x16xi32>
    %convert_element_type3A_105 = arith.sitofp %convert_element_type3A_104 : vector<8x16xi32> to vector<8x16xf32>
    %reduce_sum3A_106 = arith.constant dense<0.000000e+00> : vector<8xf32>
    %reduce_sum3A_107 = vector.multi_reduction <add>, %convert_element_type3A_105, %reduce_sum3A_106 [1] : vector<8x16xf32> to vector<8xf32>
    %broadcast_in_dim3A_108 = vector.shape_cast %reduce_sum3A_107 : vector<8xf32> to vector<8x1xf32>
    %add3A_109 = arith.constant 2.550000e+02 : f32
    %add3A_110 = vector.broadcast %add3A_109 : f32 to vector<8x1xf32>
    %add3A_111 = arith.addf %convert_element_type3A_100, %add3A_110 : vector<8x1xf32>
    %le3A_112 = vector.broadcast %dot_general3A_84 : vector<1x16xf32> to vector<8x16xf32>
    %le3A_113 = vector.broadcast %add3A_111 : vector<8x1xf32> to vector<8x16xf32>
    %le3A_114 = arith.cmpf ole, %le3A_112, %le3A_113 : vector<8x16xf32>
    %convert_element_type3A_115 = arith.extui %le3A_114 : vector<8x16xi1> to vector<8x16xi32>
    %convert_element_type3A_116 = arith.sitofp %convert_element_type3A_115 : vector<8x16xi32> to vector<8x16xf32>
    %reduce_sum3A_117 = arith.constant dense<0.000000e+00> : vector<8xf32>
    %reduce_sum3A_118 = vector.multi_reduction <add>, %convert_element_type3A_116, %reduce_sum3A_117 [1] : vector<8x16xf32> to vector<8xf32>
    %broadcast_in_dim3A_119 = vector.shape_cast %reduce_sum3A_118 : vector<8xf32> to vector<8x1xf32>
    %sub3A_120 = arith.subf %broadcast_in_dim3A_119, %broadcast_in_dim3A_108 : vector<8x1xf32>
    %add3A_121 = arith.constant 1.000000e+00 : f32
    %add3A_122 = vector.broadcast %add3A_121 : f32 to vector<8x1xf32>
    %add3A_123 = arith.addf %sub3A_120, %add3A_122 : vector<8x1xf32>
    %add3A_124 = arith.constant 1.000000e+00 : f32
    %add3A_125 = vector.broadcast %add3A_124 : f32 to vector<8x1xf32>
    %add3A_126 = arith.addf %add3A_123, %add3A_125 : vector<8x1xf32>
    %iota3A_127 = tpu.iota {dimensions = array<i32: 0>} : vector<8x8xi32>
    %iota3A_128 = tpu.iota {dimensions = array<i32: 1>} : vector<8x8xi32>
    %lt3A = arith.cmpi slt, %iota3A_127, %iota3A_128 : vector<8x8xi32>
    %convert_element_type3A_129 = arith.extui %lt3A : vector<8x8xi1> to vector<8x8xi32>
    %convert_element_type3A_130 = arith.sitofp %convert_element_type3A_129 : vector<8x8xi32> to vector<8x8xf32>
    %reshape3A = vector.shape_cast %add3A_126 : vector<8x1xf32> to vector<1x8xf32>
    %dot_general3A_131 = arith.constant dense<0.000000e+00> : vector<1x8xf32>
    %dot_general3A_132 = tpu.matmul %reshape3A, %convert_element_type3A_130, %dot_general3A_131 {dimension_numbers = #tpu.dot_dimension_numbers<[1], [0], [0], [1], [0, 0, 1, 1], [], []>, transpose_lhs_hint = false} : vector<1x8xf32>, vector<8x8xf32>, vector<1x8xf32> -> vector<1x8xf32>
    %reduce_sum3A_133 = vector.shape_cast %reshape3A : vector<1x8xf32> to vector<1x1x8xf32>
    %reduce_sum3A_134 = arith.constant dense<0.000000e+00> : vector<1xf32>
    %reduce_sum3A_135 = vector.multi_reduction <add>, %reduce_sum3A_133, %reduce_sum3A_134 [1, 2] : vector<1x1x8xf32> to vector<1xf32>
    %reduce_sum3A_136 = vector.shape_cast %reduce_sum3A_135 : vector<1xf32> to vector<1x1x1xf32>
    %reduce_sum3A_137 = vector.extract %reduce_sum3A_136[0, 0, 0] : f32 from vector<1x1x1xf32>
    %iota3A_138 = tpu.iota {dimensions = array<i32: 0>} : vector<32x1xi32>
    %convert_element_type3A_139 = arith.sitofp %iota3A_138 : vector<32x1xi32> to vector<32x1xf32>
    %add3A_140 = arith.addf %dot_general3A_132, %reshape3A : vector<1x8xf32>
    %le3A_141 = vector.broadcast %add3A_140 : vector<1x8xf32> to vector<32x8xf32>
    %le3A_142 = vector.broadcast %convert_element_type3A_139 : vector<32x1xf32> to vector<32x8xf32>
    %le3A_143 = arith.cmpf ole, %le3A_141, %le3A_142 : vector<32x8xf32>
    %convert_element_type3A_144 = arith.extui %le3A_143 : vector<32x8xi1> to vector<32x8xi32>
    %convert_element_type3A_145 = arith.sitofp %convert_element_type3A_144 : vector<32x8xi32> to vector<32x8xf32>
    %reduce_sum3A_146 = arith.constant dense<0.000000e+00> : vector<32xf32>
    %reduce_sum3A_147 = vector.multi_reduction <add>, %convert_element_type3A_145, %reduce_sum3A_146 [1] : vector<32x8xf32> to vector<32xf32>
    %broadcast_in_dim3A_148 = vector.shape_cast %reduce_sum3A_147 : vector<32xf32> to vector<32x1xf32>
    %min3A = arith.constant 7.000000e+00 : f32
    %min3A_149 = vector.broadcast %min3A : f32 to vector<32x1xf32>
    %min3A_150 = arith.minimumf %broadcast_in_dim3A_148, %min3A_149 : vector<32x1xf32>
    %iota3A_151 = tpu.iota {dimensions = array<i32: 1>} : vector<1x8xi32>
    %convert_element_type3A_152 = arith.sitofp %iota3A_151 : vector<1x8xi32> to vector<1x8xf32>
    %eq3A_153 = vector.broadcast %convert_element_type3A_152 : vector<1x8xf32> to vector<32x8xf32>
    %eq3A_154 = vector.broadcast %min3A_150 : vector<32x1xf32> to vector<32x8xf32>
    %eq3A_155 = arith.cmpf oeq, %eq3A_153, %eq3A_154 : vector<32x8xf32>
    %convert_element_type3A_156 = arith.extui %eq3A_155 : vector<32x8xi1> to vector<32x8xi32>
    %convert_element_type3A_157 = arith.sitofp %convert_element_type3A_156 : vector<32x8xi32> to vector<32x8xf32>
    %mul3A_158 = vector.broadcast %dot_general3A_132 : vector<1x8xf32> to vector<32x8xf32>
    %mul3A_159 = arith.mulf %convert_element_type3A_157, %mul3A_158 : vector<32x8xf32>
    %reduce_sum3A_160 = arith.constant dense<0.000000e+00> : vector<32xf32>
    %reduce_sum3A_161 = vector.multi_reduction <add>, %mul3A_159, %reduce_sum3A_160 [1] : vector<32x8xf32> to vector<32xf32>
    %broadcast_in_dim3A_162 = vector.shape_cast %reduce_sum3A_161 : vector<32xf32> to vector<32x1xf32>
    %reshape3A_163 = vector.shape_cast %broadcast_in_dim3A_108 : vector<8x1xf32> to vector<1x8xf32>
    %mul3A_164 = vector.broadcast %reshape3A_163 : vector<1x8xf32> to vector<32x8xf32>
    %mul3A_165 = arith.mulf %convert_element_type3A_157, %mul3A_164 : vector<32x8xf32>
    %reduce_sum3A_166 = arith.constant dense<0.000000e+00> : vector<32xf32>
    %reduce_sum3A_167 = vector.multi_reduction <add>, %mul3A_165, %reduce_sum3A_166 [1] : vector<32x8xf32> to vector<32xf32>
    %broadcast_in_dim3A_168 = vector.shape_cast %reduce_sum3A_167 : vector<32xf32> to vector<32x1xf32>
    %reshape3A_169 = vector.shape_cast %broadcast_in_dim3A_119 : vector<8x1xf32> to vector<1x8xf32>
    %mul3A_170 = vector.broadcast %reshape3A_169 : vector<1x8xf32> to vector<32x8xf32>
    %mul3A_171 = arith.mulf %convert_element_type3A_157, %mul3A_170 : vector<32x8xf32>
    %reduce_sum3A_172 = arith.constant dense<0.000000e+00> : vector<32xf32>
    %reduce_sum3A_173 = vector.multi_reduction <add>, %mul3A_171, %reduce_sum3A_172 [1] : vector<32x8xf32> to vector<32xf32>
    %broadcast_in_dim3A_174 = vector.shape_cast %reduce_sum3A_173 : vector<32xf32> to vector<32x1xf32>
    %reshape3A_175 = vector.shape_cast %add3A_123 : vector<8x1xf32> to vector<1x8xf32>
    %mul3A_176 = vector.broadcast %reshape3A_175 : vector<1x8xf32> to vector<32x8xf32>
    %mul3A_177 = arith.mulf %convert_element_type3A_157, %mul3A_176 : vector<32x8xf32>
    %reduce_sum3A_178 = arith.constant dense<0.000000e+00> : vector<32xf32>
    %reduce_sum3A_179 = vector.multi_reduction <add>, %mul3A_177, %reduce_sum3A_178 [1] : vector<32x8xf32> to vector<32xf32>
    %broadcast_in_dim3A_180 = vector.shape_cast %reduce_sum3A_179 : vector<32xf32> to vector<32x1xf32>
    %sub3A_181 = arith.subf %convert_element_type3A_139, %broadcast_in_dim3A_162 : vector<32x1xf32>
    %lt3A_182 = vector.broadcast %reduce_sum3A_137 : f32 to vector<32x1xf32>
    %lt3A_183 = arith.cmpf olt, %convert_element_type3A_139, %lt3A_182 : vector<32x1xf32>
    %lt3A_184 = arith.cmpf olt, %sub3A_181, %broadcast_in_dim3A_180 : vector<32x1xf32>
    %and3A = arith.andi %lt3A_183, %lt3A_184 : vector<32x1xi1>
    %eq3A_185 = arith.cmpf oeq, %sub3A_181, %broadcast_in_dim3A_180 : vector<32x1xf32>
    %and3A_186 = arith.andi %lt3A_183, %eq3A_185 : vector<32x1xi1>
    %add3A_187 = arith.addf %broadcast_in_dim3A_168, %sub3A_181 : vector<32x1xf32>
    %jit3A_188 = arith.constant 0.000000e+00 : f32
    %jit3A_189 = arith.constant 1.500000e+01 : f32
    %max3A = vector.broadcast %jit3A_188 : f32 to vector<32x1xf32>
    %max3A_190 = arith.maximumf %max3A, %add3A_187 : vector<32x1xf32>
    %min3A_191 = vector.broadcast %jit3A_189 : f32 to vector<32x1xf32>
    %min3A_192 = arith.minimumf %min3A_191, %max3A_190 : vector<32x1xf32>
    %reduce_max3A_193 = vector.shape_cast %broadcast_in_dim3A_119 : vector<8x1xf32> to vector<1x8x1xf32>
    %reduce_max3A_194 = arith.constant dense<0xFF800000> : vector<1xf32>
    %reduce_max3A_195 = vector.multi_reduction <maximumf>, %reduce_max3A_193, %reduce_max3A_194 [1, 2] : vector<1x8x1xf32> to vector<1xf32>
    %reduce_max3A_196 = vector.shape_cast %reduce_max3A_195 : vector<1xf32> to vector<1x1x1xf32>
    %reduce_max3A_197 = vector.extract %reduce_max3A_196[0, 0, 0] : f32 from vector<1x1x1xf32>
    %broadcast_in_dim3A_198 = vector.broadcast %reduce_max3A_197 : f32 to vector<32x1xf32>
    %select_n3A_199 = arith.select %and3A_186, %broadcast_in_dim3A_174, %broadcast_in_dim3A_198 : vector<32x1xi1>, vector<32x1xf32>
    %select_n3A_200 = arith.select %and3A, %min3A_192, %select_n3A_199 : vector<32x1xi1>, vector<32x1xf32>
    %jit3A_201 = arith.constant 0.000000e+00 : f32
    %jit3A_202 = arith.constant 1.500000e+01 : f32
    %max3A_203 = vector.broadcast %jit3A_201 : f32 to vector<32x1xf32>
    %max3A_204 = arith.maximumf %max3A_203, %select_n3A_200 : vector<32x1xf32>
    %min3A_205 = vector.broadcast %jit3A_202 : f32 to vector<32x1xf32>
    %min3A_206 = arith.minimumf %min3A_205, %max3A_204 : vector<32x1xf32>
    %iota3A_207 = tpu.iota {dimensions = array<i32: 1>} : vector<1x16xi32>
    %convert_element_type3A_208 = arith.sitofp %iota3A_207 : vector<1x16xi32> to vector<1x16xf32>
    %eq3A_209 = vector.broadcast %convert_element_type3A_208 : vector<1x16xf32> to vector<32x16xf32>
    %eq3A_210 = vector.broadcast %min3A_192 : vector<32x1xf32> to vector<32x16xf32>
    %eq3A_211 = arith.cmpf oeq, %eq3A_209, %eq3A_210 : vector<32x16xf32>
    %convert_element_type3A_212 = arith.extui %eq3A_211 : vector<32x16xi1> to vector<32x16xi32>
    %convert_element_type3A_213 = arith.sitofp %convert_element_type3A_212 : vector<32x16xi32> to vector<32x16xf32>
    %mul3A_214 = vector.broadcast %sub3A_85 : vector<1x16xf32> to vector<32x16xf32>
    %mul3A_215 = arith.mulf %convert_element_type3A_213, %mul3A_214 : vector<32x16xf32>
    %reduce_sum3A_216 = arith.constant dense<0.000000e+00> : vector<32xf32>
    %reduce_sum3A_217 = vector.multi_reduction <add>, %mul3A_215, %reduce_sum3A_216 [1] : vector<32x16xf32> to vector<32xf32>
    %broadcast_in_dim3A_218 = vector.shape_cast %reduce_sum3A_217 : vector<32xf32> to vector<32x1xf32>
    %mul3A_219 = vector.broadcast %dot_general3A_84 : vector<1x16xf32> to vector<32x16xf32>
    %mul3A_220 = arith.mulf %convert_element_type3A_213, %mul3A_219 : vector<32x16xf32>
    %reduce_sum3A_221 = arith.constant dense<0.000000e+00> : vector<32xf32>
    %reduce_sum3A_222 = vector.multi_reduction <add>, %mul3A_220, %reduce_sum3A_221 [1] : vector<32x16xf32> to vector<32xf32>
    %broadcast_in_dim3A_223 = vector.shape_cast %reduce_sum3A_222 : vector<32xf32> to vector<32x1xf32>
    %mul3A_224 = arith.constant 2.560000e+02 : f32
    %mul3A_225 = vector.broadcast %mul3A_224 : f32 to vector<32x1xf32>
    %mul3A_226 = arith.mulf %min3A_150, %mul3A_225 : vector<32x1xf32>
    %add3A_227 = arith.constant 2.560000e+02 : f32
    %add3A_228 = vector.broadcast %add3A_227 : f32 to vector<32x1xf32>
    %add3A_229 = arith.addf %mul3A_226, %add3A_228 : vector<32x1xf32>
    %max3A_230 = arith.maximumf %broadcast_in_dim3A_218, %mul3A_226 : vector<32x1xf32>
    %jit3A_231 = arith.constant 0.000000e+00 : f32
    %broadcast_in_dim3A_232 = vector.broadcast %jit3A_231 : f32 to vector<32x1xf32>
    %select_n3A_233 = arith.select %and3A_186, %mul3A_226, %broadcast_in_dim3A_232 : vector<32x1xi1>, vector<32x1xf32>
    %select_n3A_234 = arith.select %and3A, %max3A_230, %select_n3A_233 : vector<32x1xi1>, vector<32x1xf32>
    %min3A_235 = arith.minimumf %broadcast_in_dim3A_223, %add3A_229 : vector<32x1xf32>
    %jit3A_236 = arith.constant 0.000000e+00 : f32
    %broadcast_in_dim3A_237 = vector.broadcast %jit3A_236 : f32 to vector<32x1xf32>
    %select_n3A_238 = arith.select %and3A_186, %add3A_229, %broadcast_in_dim3A_237 : vector<32x1xi1>, vector<32x1xf32>
    %select_n3A_239 = arith.select %and3A, %min3A_235, %select_n3A_238 : vector<32x1xi1>, vector<32x1xf32>
    %eq3A_240 = arith.cmpf oeq, %convert_element_type3A_139, %broadcast_in_dim3A_162 : vector<32x1xf32>
    %and3A_241 = arith.andi %eq3A_240, %lt3A_183 : vector<32x1xi1>
    %convert_element_type3A_242 = arith.extui %and3A_241 : vector<32x1xi1> to vector<32x1xi32>
    %convert_element_type3A_243 = arith.sitofp %convert_element_type3A_242 : vector<32x1xi32> to vector<32x1xf32>
    %iota3A_244 = tpu.iota {dimensions = array<i32: 0>} : vector<32x32xi32>
    %iota3A_245 = tpu.iota {dimensions = array<i32: 1>} : vector<32x32xi32>
    %add3A_246 = arith.constant 1 : i32
    %add3A_247 = vector.broadcast %add3A_246 : i32 to vector<32x32xi32>
    %add3A_248 = arith.addi %iota3A_245, %add3A_247 : vector<32x32xi32>
    %eq3A_249 = arith.cmpi eq, %iota3A_244, %add3A_248 : vector<32x32xi32>
    %convert_element_type3A_250 = arith.extui %eq3A_249 : vector<32x32xi1> to vector<32x32xi32>
    %convert_element_type3A_251 = arith.sitofp %convert_element_type3A_250 : vector<32x32xi32> to vector<32x32xf32>
    %dot_general3A_252 = arith.constant dense<0.000000e+00> : vector<32x1xf32>
    %dot_general3A_253 = tpu.matmul %convert_element_type3A_251, %min3A_206, %dot_general3A_252 {dimension_numbers = #tpu.dot_dimension_numbers<[1], [0], [0], [1], [0, 0, 1, 1], [], []>, transpose_lhs_hint = false} : vector<32x32xf32>, vector<32x1xf32>, vector<32x1xf32> -> vector<32x1xf32>
    %eq3A_254 = arith.constant 0.000000e+00 : f32
    %eq3A_255 = vector.broadcast %eq3A_254 : f32 to vector<32x1xf32>
    %eq3A_256 = arith.cmpf oeq, %convert_element_type3A_139, %eq3A_255 : vector<32x1xf32>
    %ne3A = arith.cmpf one, %min3A_206, %dot_general3A_253 : vector<32x1xf32>
    %or3A = arith.ori %eq3A_256, %ne3A : vector<32x1xi1>
    %convert_element_type3A_257 = arith.extui %or3A : vector<32x1xi1> to vector<32x1xi32>
    %convert_element_type3A_258 = arith.sitofp %convert_element_type3A_257 : vector<32x1xi32> to vector<32x1xf32>
    %ge3A = arith.cmpi sge, %iota3A_244, %iota3A_245 : vector<32x32xi32>
    %convert_element_type3A_259 = arith.extui %ge3A : vector<32x32xi1> to vector<32x32xi32>
    %convert_element_type3A_260 = arith.sitofp %convert_element_type3A_259 : vector<32x32xi32> to vector<32x32xf32>
    %convert_element_type3A_261 = arith.extui %and3A_186 : vector<32x1xi1> to vector<32x1xi32>
    %convert_element_type3A_262 = arith.sitofp %convert_element_type3A_261 : vector<32x1xi32> to vector<32x1xf32>
    %dot_general3A_263 = arith.constant dense<0.000000e+00> : vector<32x1xf32>
    %dot_general3A_264 = tpu.matmul %convert_element_type3A_260, %convert_element_type3A_262, %dot_general3A_263 {dimension_numbers = #tpu.dot_dimension_numbers<[1], [0], [0], [1], [0, 0, 1, 1], [], []>, transpose_lhs_hint = false} : vector<32x32xf32>, vector<32x1xf32>, vector<32x1xf32> -> vector<32x1xf32>
    %eq3A_265 = arith.constant 1.000000e+00 : f32
    %eq3A_266 = vector.broadcast %eq3A_265 : f32 to vector<32x1xf32>
    %eq3A_267 = arith.cmpf oeq, %dot_general3A_264, %eq3A_266 : vector<32x1xf32>
    %and3A_268 = arith.andi %and3A_186, %eq3A_267 : vector<32x1xi1>
    %convert_element_type3A_269 = arith.extui %and3A_268 : vector<32x1xi1> to vector<32x1xi32>
    %convert_element_type3A_270 = arith.sitofp %convert_element_type3A_269 : vector<32x1xi32> to vector<32x1xf32>
    %convert_element_type3A_271 = arith.extui %and3A_186 : vector<32x1xi1> to vector<32x1xi32>
    %convert_element_type3A_272 = arith.sitofp %convert_element_type3A_271 : vector<32x1xi32> to vector<32x1xf32>
    %reshape3A_273 = vector.shape_cast %min3A_150 : vector<32x1xf32> to vector<1x32xf32>
    %reshape3A_274 = vector.shape_cast %min3A_206 : vector<32x1xf32> to vector<1x32xf32>
    %reshape3A_275 = vector.shape_cast %select_n3A_234 : vector<32x1xf32> to vector<1x32xf32>
    %reshape3A_276 = vector.shape_cast %select_n3A_239 : vector<32x1xf32> to vector<1x32xf32>
    %reshape3A_277 = vector.shape_cast %convert_element_type3A_272 : vector<32x1xf32> to vector<1x32xf32>
    %reshape3A_278 = vector.shape_cast %convert_element_type3A_243 : vector<32x1xf32> to vector<1x32xf32>
    %reshape3A_279 = vector.shape_cast %convert_element_type3A_258 : vector<32x1xf32> to vector<1x32xf32>
    %reshape3A_280 = vector.shape_cast %convert_element_type3A_270 : vector<32x1xf32> to vector<1x32xf32>
    %concatenate3A = tpu.concatenate %reshape3A_273, %reshape3A_274, %reshape3A_275, %reshape3A_276, %reshape3A_277, %reshape3A_278, %reshape3A_279, %reshape3A_280 in 0 : vector<1x32xf32>, vector<1x32xf32>, vector<1x32xf32>, vector<1x32xf32>, vector<1x32xf32>, vector<1x32xf32>, vector<1x32xf32>, vector<1x32xf32> -> vector<8x32xf32>
    %convert_element_type3A_281 = arith.fptosi %concatenate3A : vector<8x32xf32> to vector<8x32xi32>
    %swap3A_282 = arith.constant 0 : index
    %swap3A_283 = arith.constant 0 : index
    %swap3A_284 = vector.load %arg8[%swap3A_282, %swap3A_283] : memref<8x32xi32, #tpu.memory_space<vmem>>, vector<8x32xi32>
    tpu.vector_store %arg8[%swap3A_282, %swap3A_283], %convert_element_type3A_281 {strides = array<i32>} : memref<8x32xi32, #tpu.memory_space<vmem>>, vector<8x32xi32>,
    return
  }
}

module attributes {stable_mosaic.version = 14 : i64} {
  func.func @_gmm_body(%arg0: i32, %arg1: memref<8x32xi32, #tpu.memory_space<smem>>, %arg2: memref<256x768xf32, #tpu.memory_space<vmem>>, %arg3: memref<1x1024x768xf32, #tpu.memory_space<vmem>>, %arg4: memref<1x1024x768xf32, #tpu.memory_space<vmem>>, %arg5: memref<1x768x1024xf32, #tpu.memory_space<vmem>>, %arg6: memref<1024x768xf32, #tpu.memory_space<vmem>>, %arg7: memref<1024x768xf32, #tpu.memory_space<vmem>>, %arg8: memref<768x1024xf32, #tpu.memory_space<vmem>>, %arg9: memref<256x768xf32, #tpu.memory_space<vmem>>, %arg10: memref<1024x768xbf16, #tpu.memory_space<vmem>>, %arg11: memref<1024x768xbf16, #tpu.memory_space<vmem>>, %arg12: memref<768x1024xbf16, #tpu.memory_space<vmem>>, %arg13: memref<1024x768xbf16, #tpu.memory_space<vmem>>, %arg14: memref<1024x768xbf16, #tpu.memory_space<vmem>>, %arg15: memref<768x1024xbf16, #tpu.memory_space<vmem>>) attributes {dimension_semantics = [#tpu.dimension_semantics<arbitrary>], iteration_bounds = array<i64: 32>, scalar_prefetch = 1 : i64, scratch_operands = 6 : i64, tpu.core_type = #tpu.core_type<tc>, window_params = [{transform_indices = @transform_0, window_bounds = array<i64: 256, 768>}, {transform_indices = @transform_1, window_bounds = array<i64: 1, 1024, 768>}, {transform_indices = @transform_2, window_bounds = array<i64: 1, 1024, 768>}, {transform_indices = @transform_3, window_bounds = array<i64: 1, 768, 1024>}, {pipeline_mode = #tpu.pipeline_mode<synchronous>, transform_indices = @transform_4, window_bounds = array<i64: 1024, 768>}, {pipeline_mode = #tpu.pipeline_mode<synchronous>, transform_indices = @transform_5, window_bounds = array<i64: 1024, 768>}, {pipeline_mode = #tpu.pipeline_mode<synchronous>, transform_indices = @transform_6, window_bounds = array<i64: 768, 1024>}, {transform_indices = @transform_7, window_bounds = array<i64: 256, 768>}]} {
    %get3A = arith.constant 0 : index
    %get3A_0 = arith.index_cast %arg0 : i32 to index
    %get3A_1 = memref.load %arg1[%get3A, %get3A_0] : memref<8x32xi32, #tpu.memory_space<smem>>
    %get3A_2 = arith.constant 2 : index
    %get3A_3 = arith.index_cast %arg0 : i32 to index
    %get3A_4 = memref.load %arg1[%get3A_2, %get3A_3] : memref<8x32xi32, #tpu.memory_space<smem>>
    %get3A_5 = arith.constant 3 : index
    %get3A_6 = arith.index_cast %arg0 : i32 to index
    %get3A_7 = memref.load %arg1[%get3A_5, %get3A_6] : memref<8x32xi32, #tpu.memory_space<smem>>
    %get3A_8 = arith.constant 4 : index
    %get3A_9 = arith.index_cast %arg0 : i32 to index
    %get3A_10 = memref.load %arg1[%get3A_8, %get3A_9] : memref<8x32xi32, #tpu.memory_space<smem>>
    %eq3A = arith.constant 1 : i32
    %eq3A_11 = arith.cmpi eq, %get3A_10, %eq3A : i32
    %get3A_12 = arith.constant 5 : index
    %get3A_13 = arith.index_cast %arg0 : i32 to index
    %get3A_14 = memref.load %arg1[%get3A_12, %get3A_13] : memref<8x32xi32, #tpu.memory_space<smem>>
    %eq3A_15 = arith.constant 1 : i32
    %eq3A_16 = arith.cmpi eq, %get3A_14, %eq3A_15 : i32
    %get3A_17 = arith.constant 6 : index
    %get3A_18 = arith.index_cast %arg0 : i32 to index
    %get3A_19 = memref.load %arg1[%get3A_17, %get3A_18] : memref<8x32xi32, #tpu.memory_space<smem>>
    %eq3A_20 = arith.constant 1 : i32
    %eq3A_21 = arith.cmpi eq, %get3A_19, %eq3A_20 : i32
    %convert_element_type3A = arith.extui %eq3A_21 : i1 to i32
    %cond3A = arith.constant 0 : i32
    %cond3A_22 = arith.cmpi ne, %convert_element_type3A, %cond3A : i32
    scf.if %cond3A_22 {
      %get3A_47 = arith.constant 0 : index
      %get3A_48 = arith.constant 0 : index
      %get3A_49 = arith.constant 0 : index
      %get3A_50 = vector.load %arg3[%get3A_47, %get3A_48, %get3A_49] : memref<1x1024x768xf32, #tpu.memory_space<vmem>>, vector<1x1024x768xf32>
      %get3A_51 = vector.shape_cast %get3A_50 : vector<1x1024x768xf32> to vector<1024x768xf32>
      %convert_element_type3A_52 = arith.truncf %get3A_51 : vector<1024x768xf32> to vector<1024x768xbf16>
      %swap3A = arith.constant 0 : index
      %swap3A_53 = arith.constant 0 : index
      %swap3A_54 = vector.load %arg10[%swap3A, %swap3A_53] : memref<1024x768xbf16, #tpu.memory_space<vmem>>, vector<1024x768xbf16>
      tpu.vector_store %arg10[%swap3A, %swap3A_53], %convert_element_type3A_52 {strides = array<i32>} : memref<1024x768xbf16, #tpu.memory_space<vmem>>, vector<1024x768xbf16>,
      %get3A_55 = arith.constant 0 : index
      %get3A_56 = arith.constant 0 : index
      %get3A_57 = arith.constant 0 : index
      %get3A_58 = vector.load %arg4[%get3A_55, %get3A_56, %get3A_57] : memref<1x1024x768xf32, #tpu.memory_space<vmem>>, vector<1x1024x768xf32>
      %get3A_59 = vector.shape_cast %get3A_58 : vector<1x1024x768xf32> to vector<1024x768xf32>
      %convert_element_type3A_60 = arith.truncf %get3A_59 : vector<1024x768xf32> to vector<1024x768xbf16>
      %swap3A_61 = arith.constant 0 : index
      %swap3A_62 = arith.constant 0 : index
      %swap3A_63 = vector.load %arg11[%swap3A_61, %swap3A_62] : memref<1024x768xbf16, #tpu.memory_space<vmem>>, vector<1024x768xbf16>
      tpu.vector_store %arg11[%swap3A_61, %swap3A_62], %convert_element_type3A_60 {strides = array<i32>} : memref<1024x768xbf16, #tpu.memory_space<vmem>>, vector<1024x768xbf16>,
      %get3A_64 = arith.constant 0 : index
      %get3A_65 = arith.constant 0 : index
      %get3A_66 = arith.constant 0 : index
      %get3A_67 = vector.load %arg5[%get3A_64, %get3A_65, %get3A_66] : memref<1x768x1024xf32, #tpu.memory_space<vmem>>, vector<1x768x1024xf32>
      %get3A_68 = vector.shape_cast %get3A_67 : vector<1x768x1024xf32> to vector<768x1024xf32>
      %convert_element_type3A_69 = arith.truncf %get3A_68 : vector<768x1024xf32> to vector<768x1024xbf16>
      %swap3A_70 = arith.constant 0 : index
      %swap3A_71 = arith.constant 0 : index
      %swap3A_72 = vector.load %arg12[%swap3A_70, %swap3A_71] : memref<768x1024xbf16, #tpu.memory_space<vmem>>, vector<768x1024xbf16>
      tpu.vector_store %arg12[%swap3A_70, %swap3A_71], %convert_element_type3A_69 {strides = array<i32>} : memref<768x1024xbf16, #tpu.memory_space<vmem>>, vector<768x1024xbf16>,
    } else {
    }
    %get3A_23 = arith.constant 7 : index
    %get3A_24 = arith.index_cast %arg0 : i32 to index
    %get3A_25 = memref.load %arg1[%get3A_23, %get3A_24] : memref<8x32xi32, #tpu.memory_space<smem>>
    %eq3A_26 = arith.constant 1 : i32
    %eq3A_27 = arith.cmpi eq, %get3A_25, %eq3A_26 : i32
    %convert_element_type3A_28 = arith.extui %eq3A_27 : i1 to i32
    %cond3A_29 = arith.constant 0 : i32
    %cond3A_30 = arith.cmpi ne, %convert_element_type3A_28, %cond3A_29 : i32
    scf.if %cond3A_30 {
      %get3A_47 = arith.constant 0 : index
      %get3A_48 = arith.constant 0 : index
      %get3A_49 = vector.load %arg6[%get3A_47, %get3A_48] : memref<1024x768xf32, #tpu.memory_space<vmem>>, vector<1024x768xf32>
      %convert_element_type3A_50 = arith.truncf %get3A_49 : vector<1024x768xf32> to vector<1024x768xbf16>
      %swap3A = arith.constant 0 : index
      %swap3A_51 = arith.constant 0 : index
      %swap3A_52 = vector.load %arg13[%swap3A, %swap3A_51] : memref<1024x768xbf16, #tpu.memory_space<vmem>>, vector<1024x768xbf16>
      tpu.vector_store %arg13[%swap3A, %swap3A_51], %convert_element_type3A_50 {strides = array<i32>} : memref<1024x768xbf16, #tpu.memory_space<vmem>>, vector<1024x768xbf16>,
      %get3A_53 = arith.constant 0 : index
      %get3A_54 = arith.constant 0 : index
      %get3A_55 = vector.load %arg7[%get3A_53, %get3A_54] : memref<1024x768xf32, #tpu.memory_space<vmem>>, vector<1024x768xf32>
      %convert_element_type3A_56 = arith.truncf %get3A_55 : vector<1024x768xf32> to vector<1024x768xbf16>
      %swap3A_57 = arith.constant 0 : index
      %swap3A_58 = arith.constant 0 : index
      %swap3A_59 = vector.load %arg14[%swap3A_57, %swap3A_58] : memref<1024x768xbf16, #tpu.memory_space<vmem>>, vector<1024x768xbf16>
      tpu.vector_store %arg14[%swap3A_57, %swap3A_58], %convert_element_type3A_56 {strides = array<i32>} : memref<1024x768xbf16, #tpu.memory_space<vmem>>, vector<1024x768xbf16>,
      %get3A_60 = arith.constant 0 : index
      %get3A_61 = arith.constant 0 : index
      %get3A_62 = vector.load %arg8[%get3A_60, %get3A_61] : memref<768x1024xf32, #tpu.memory_space<vmem>>, vector<768x1024xf32>
      %convert_element_type3A_63 = arith.truncf %get3A_62 : vector<768x1024xf32> to vector<768x1024xbf16>
      %swap3A_64 = arith.constant 0 : index
      %swap3A_65 = arith.constant 0 : index
      %swap3A_66 = vector.load %arg15[%swap3A_64, %swap3A_65] : memref<768x1024xbf16, #tpu.memory_space<vmem>>, vector<768x1024xbf16>
      tpu.vector_store %arg15[%swap3A_64, %swap3A_65], %convert_element_type3A_63 {strides = array<i32>} : memref<768x1024xbf16, #tpu.memory_space<vmem>>, vector<768x1024xbf16>,
    } else {
    }
    %convert_element_type3A_31 = arith.extui %eq3A_16 : i1 to i32
    %cond3A_32 = arith.constant 0 : i32
    %cond3A_33 = arith.cmpi ne, %convert_element_type3A_31, %cond3A_32 : i32
    scf.if %cond3A_33 {
      %broadcast_in_dim3A = arith.constant 0.000000e+00 : f32
      %broadcast_in_dim3A_47 = vector.broadcast %broadcast_in_dim3A : f32 to vector<256x768xf32>
      %swap3A = arith.constant 0 : index
      %swap3A_48 = arith.constant 0 : index
      %swap3A_49 = vector.load %arg9[%swap3A, %swap3A_48] : memref<256x768xf32, #tpu.memory_space<vmem>>, vector<256x768xf32>
      tpu.vector_store %arg9[%swap3A, %swap3A_48], %broadcast_in_dim3A_47 {strides = array<i32>} : memref<256x768xf32, #tpu.memory_space<vmem>>, vector<256x768xf32>,
    } else {
    }
    %mul3A = arith.constant 256 : i32
    %mul3A_34 = arith.muli %get3A_1, %mul3A : i32
    %iota3A = tpu.iota {dimensions = array<i32: 0>} : vector<256x1xi32>
    %add3A = vector.broadcast %mul3A_34 : i32 to vector<256x1xi32>
    %add3A_35 = arith.addi %add3A, %iota3A : vector<256x1xi32>
    %ge3A = vector.broadcast %get3A_4 : i32 to vector<256x1xi32>
    %ge3A_36 = arith.cmpi sge, %add3A_35, %ge3A : vector<256x1xi32>
    %lt3A = vector.broadcast %get3A_7 : i32 to vector<256x1xi32>
    %lt3A_37 = arith.cmpi slt, %add3A_35, %lt3A : vector<256x1xi32>
    %and3A = arith.andi %ge3A_36, %lt3A_37 : vector<256x1xi1>
    %gt3A = arith.cmpi sgt, %get3A_7, %get3A_4 : i32
    %not3A = arith.constant true
    %not3A_38 = arith.xori %eq3A_11, %not3A : i1
    %and3A_39 = arith.andi %gt3A, %not3A_38 : i1
    %convert_element_type3A_40 = arith.extui %and3A_39 : i1 to i32
    %cond3A_41 = arith.constant 0 : i32
    %cond3A_42 = arith.cmpi ne, %convert_element_type3A_40, %cond3A_41 : i32
    scf.if %cond3A_42 {
      %get3A_47 = arith.constant 0 : index
      %get3A_48 = arith.constant 0 : index
      %get3A_49 = vector.load %arg2[%get3A_47, %get3A_48] : memref<256x768xf32, #tpu.memory_space<vmem>>, vector<256x768xf32>
      %jit3A = arith.constant 0.000000e+00 : f32
      %broadcast_in_dim3A = vector.shape_cast %and3A : vector<256x1xi1> to vector<256x1xi1>
      %broadcast_in_dim3A_50 = vector.broadcast %broadcast_in_dim3A : vector<256x1xi1> to vector<256x768xi1>
      %broadcast_in_dim3A_51 = vector.broadcast %jit3A : f32 to vector<256x768xf32>
      %select_n3A = arith.select %broadcast_in_dim3A_50, %get3A_49, %broadcast_in_dim3A_51 : vector<256x768xi1>, vector<256x768xf32>
      %get3A_52 = arith.constant 0 : index
      %get3A_53 = arith.constant 0 : index
      %get3A_54 = vector.load %arg9[%get3A_52, %get3A_53] : memref<256x768xf32, #tpu.memory_space<vmem>>, vector<256x768xf32>
      %get3A_55 = arith.constant 0 : index
      %get3A_56 = arith.constant 0 : index
      %get3A_57 = vector.load %arg10[%get3A_55, %get3A_56] : memref<1024x768xbf16, #tpu.memory_space<vmem>>, vector<1024x768xbf16>
      %get3A_58 = arith.constant 0 : index
      %get3A_59 = arith.constant 0 : index
      %get3A_60 = vector.load %arg11[%get3A_58, %get3A_59] : memref<1024x768xbf16, #tpu.memory_space<vmem>>, vector<1024x768xbf16>
      %get3A_61 = arith.constant 0 : index
      %get3A_62 = arith.constant 0 : index
      %get3A_63 = vector.load %arg12[%get3A_61, %get3A_62] : memref<768x1024xbf16, #tpu.memory_space<vmem>>, vector<768x1024xbf16>
      %convert_element_type3A_64 = arith.truncf %select_n3A : vector<256x768xf32> to vector<256x768xbf16>
      %dot_general3A = arith.constant dense<0.000000e+00> : vector<256x1024xf32>
      %dot_general3A_65 = tpu.matmul %convert_element_type3A_64, %get3A_57, %dot_general3A {dimension_numbers = #tpu.dot_dimension_numbers<[1], [1], [0], [0], [0, 0, 1, 0], [], []>, transpose_lhs_hint = false} : vector<256x768xbf16>, vector<1024x768xbf16>, vector<256x1024xf32> -> vector<256x1024xf32>
      %dot_general3A_66 = arith.constant dense<0.000000e+00> : vector<256x1024xf32>
      %dot_general3A_67 = tpu.matmul %convert_element_type3A_64, %get3A_60, %dot_general3A_66 {dimension_numbers = #tpu.dot_dimension_numbers<[1], [1], [0], [0], [0, 0, 1, 0], [], []>, transpose_lhs_hint = false} : vector<256x768xbf16>, vector<1024x768xbf16>, vector<256x1024xf32> -> vector<256x1024xf32>
      %logistic3A = arith.negf %dot_general3A_65 : vector<256x1024xf32>
      %logistic3A_68 = math.exp %logistic3A : vector<256x1024xf32>
      %logistic3A_69 = arith.constant 1.000000e+00 : f32
      %logistic3A_70 = vector.broadcast %logistic3A_69 : f32 to vector<256x1024xf32>
      %logistic3A_71 = arith.addf %logistic3A_70, %logistic3A_68 : vector<256x1024xf32>
      %logistic3A_72 = arith.divf %logistic3A_70, %logistic3A_71 : vector<256x1024xf32>
      %mul3A_73 = arith.mulf %dot_general3A_65, %logistic3A_72 : vector<256x1024xf32>
      %mul3A_74 = arith.mulf %mul3A_73, %dot_general3A_67 : vector<256x1024xf32>
      %convert_element_type3A_75 = arith.truncf %mul3A_74 : vector<256x1024xf32> to vector<256x1024xbf16>
      %dot_general3A_76 = arith.constant dense<0.000000e+00> : vector<256x768xf32>
      %dot_general3A_77 = tpu.matmul %convert_element_type3A_75, %get3A_63, %dot_general3A_76 {dimension_numbers = #tpu.dot_dimension_numbers<[1], [1], [0], [0], [0, 0, 1, 0], [], []>, transpose_lhs_hint = false} : vector<256x1024xbf16>, vector<768x1024xbf16>, vector<256x768xf32> -> vector<256x768xf32>
      %add3A_78 = arith.addf %get3A_54, %dot_general3A_77 : vector<256x768xf32>
      %swap3A = arith.constant 0 : index
      %swap3A_79 = arith.constant 0 : index
      %swap3A_80 = vector.load %arg9[%swap3A, %swap3A_79] : memref<256x768xf32, #tpu.memory_space<vmem>>, vector<256x768xf32>
      tpu.vector_store %arg9[%swap3A, %swap3A_79], %add3A_78 {strides = array<i32>} : memref<256x768xf32, #tpu.memory_space<vmem>>, vector<256x768xf32>,
    } else {
    }
    %and3A_43 = arith.andi %gt3A, %eq3A_11 : i1
    %convert_element_type3A_44 = arith.extui %and3A_43 : i1 to i32
    %cond3A_45 = arith.constant 0 : i32
    %cond3A_46 = arith.cmpi ne, %convert_element_type3A_44, %cond3A_45 : i32
    scf.if %cond3A_46 {
      %get3A_47 = arith.constant 0 : index
      %get3A_48 = arith.constant 0 : index
      %get3A_49 = vector.load %arg2[%get3A_47, %get3A_48] : memref<256x768xf32, #tpu.memory_space<vmem>>, vector<256x768xf32>
      %jit3A = arith.constant 0.000000e+00 : f32
      %broadcast_in_dim3A = vector.shape_cast %and3A : vector<256x1xi1> to vector<256x1xi1>
      %broadcast_in_dim3A_50 = vector.broadcast %broadcast_in_dim3A : vector<256x1xi1> to vector<256x768xi1>
      %broadcast_in_dim3A_51 = vector.broadcast %jit3A : f32 to vector<256x768xf32>
      %select_n3A = arith.select %broadcast_in_dim3A_50, %get3A_49, %broadcast_in_dim3A_51 : vector<256x768xi1>, vector<256x768xf32>
      %get3A_52 = arith.constant 0 : index
      %get3A_53 = arith.constant 0 : index
      %get3A_54 = vector.load %arg9[%get3A_52, %get3A_53] : memref<256x768xf32, #tpu.memory_space<vmem>>, vector<256x768xf32>
      %get3A_55 = arith.constant 0 : index
      %get3A_56 = arith.constant 0 : index
      %get3A_57 = vector.load %arg13[%get3A_55, %get3A_56] : memref<1024x768xbf16, #tpu.memory_space<vmem>>, vector<1024x768xbf16>
      %get3A_58 = arith.constant 0 : index
      %get3A_59 = arith.constant 0 : index
      %get3A_60 = vector.load %arg14[%get3A_58, %get3A_59] : memref<1024x768xbf16, #tpu.memory_space<vmem>>, vector<1024x768xbf16>
      %get3A_61 = arith.constant 0 : index
      %get3A_62 = arith.constant 0 : index
      %get3A_63 = vector.load %arg15[%get3A_61, %get3A_62] : memref<768x1024xbf16, #tpu.memory_space<vmem>>, vector<768x1024xbf16>
      %convert_element_type3A_64 = arith.truncf %select_n3A : vector<256x768xf32> to vector<256x768xbf16>
      %dot_general3A = arith.constant dense<0.000000e+00> : vector<256x1024xf32>
      %dot_general3A_65 = tpu.matmul %convert_element_type3A_64, %get3A_57, %dot_general3A {dimension_numbers = #tpu.dot_dimension_numbers<[1], [1], [0], [0], [0, 0, 1, 0], [], []>, transpose_lhs_hint = false} : vector<256x768xbf16>, vector<1024x768xbf16>, vector<256x1024xf32> -> vector<256x1024xf32>
      %dot_general3A_66 = arith.constant dense<0.000000e+00> : vector<256x1024xf32>
      %dot_general3A_67 = tpu.matmul %convert_element_type3A_64, %get3A_60, %dot_general3A_66 {dimension_numbers = #tpu.dot_dimension_numbers<[1], [1], [0], [0], [0, 0, 1, 0], [], []>, transpose_lhs_hint = false} : vector<256x768xbf16>, vector<1024x768xbf16>, vector<256x1024xf32> -> vector<256x1024xf32>
      %logistic3A = arith.negf %dot_general3A_65 : vector<256x1024xf32>
      %logistic3A_68 = math.exp %logistic3A : vector<256x1024xf32>
      %logistic3A_69 = arith.constant 1.000000e+00 : f32
      %logistic3A_70 = vector.broadcast %logistic3A_69 : f32 to vector<256x1024xf32>
      %logistic3A_71 = arith.addf %logistic3A_70, %logistic3A_68 : vector<256x1024xf32>
      %logistic3A_72 = arith.divf %logistic3A_70, %logistic3A_71 : vector<256x1024xf32>
      %mul3A_73 = arith.mulf %dot_general3A_65, %logistic3A_72 : vector<256x1024xf32>
      %mul3A_74 = arith.mulf %mul3A_73, %dot_general3A_67 : vector<256x1024xf32>
      %convert_element_type3A_75 = arith.truncf %mul3A_74 : vector<256x1024xf32> to vector<256x1024xbf16>
      %dot_general3A_76 = arith.constant dense<0.000000e+00> : vector<256x768xf32>
      %dot_general3A_77 = tpu.matmul %convert_element_type3A_75, %get3A_63, %dot_general3A_76 {dimension_numbers = #tpu.dot_dimension_numbers<[1], [1], [0], [0], [0, 0, 1, 0], [], []>, transpose_lhs_hint = false} : vector<256x1024xbf16>, vector<768x1024xbf16>, vector<256x768xf32> -> vector<256x768xf32>
      %add3A_78 = arith.addf %get3A_54, %dot_general3A_77 : vector<256x768xf32>
      %swap3A = arith.constant 0 : index
      %swap3A_79 = arith.constant 0 : index
      %swap3A_80 = vector.load %arg9[%swap3A, %swap3A_79] : memref<256x768xf32, #tpu.memory_space<vmem>>, vector<256x768xf32>
      tpu.vector_store %arg9[%swap3A, %swap3A_79], %add3A_78 {strides = array<i32>} : memref<256x768xf32, #tpu.memory_space<vmem>>, vector<256x768xf32>,
    } else {
    }
    return
  }
  func.func @transform_0(%arg0: i32, %arg1: memref<8x32xi32, #tpu.memory_space<smem>>) -> (i32, i32) {
    %get3A = arith.constant 0 : index
    %get3A_0 = arith.index_cast %arg0 : i32 to index
    %get3A_1 = memref.load %arg1[%get3A, %get3A_0] : memref<8x32xi32, #tpu.memory_space<smem>>
    %c0_i32 = arith.constant 0 : i32
    %c0_i32_2 = arith.constant 0 : i32
    return %get3A_1, %c0_i32 : i32, i32
  }
  func.func @transform_1(%arg0: i32, %arg1: memref<8x32xi32, #tpu.memory_space<smem>>) -> (i32, i32, i32) {
    %get3A = arith.constant 1 : index
    %get3A_0 = arith.index_cast %arg0 : i32 to index
    %get3A_1 = memref.load %arg1[%get3A, %get3A_0] : memref<8x32xi32, #tpu.memory_space<smem>>
    %c0_i32 = arith.constant 0 : i32
    %c0_i32_2 = arith.constant 0 : i32
    %c0_i32_3 = arith.constant 0 : i32
    return %get3A_1, %c0_i32, %c0_i32_2 : i32, i32, i32
  }
  func.func @transform_2(%arg0: i32, %arg1: memref<8x32xi32, #tpu.memory_space<smem>>) -> (i32, i32, i32) {
    %get3A = arith.constant 1 : index
    %get3A_0 = arith.index_cast %arg0 : i32 to index
    %get3A_1 = memref.load %arg1[%get3A, %get3A_0] : memref<8x32xi32, #tpu.memory_space<smem>>
    %c0_i32 = arith.constant 0 : i32
    %c0_i32_2 = arith.constant 0 : i32
    %c0_i32_3 = arith.constant 0 : i32
    return %get3A_1, %c0_i32, %c0_i32_2 : i32, i32, i32
  }
  func.func @transform_3(%arg0: i32, %arg1: memref<8x32xi32, #tpu.memory_space<smem>>) -> (i32, i32, i32) {
    %get3A = arith.constant 1 : index
    %get3A_0 = arith.index_cast %arg0 : i32 to index
    %get3A_1 = memref.load %arg1[%get3A, %get3A_0] : memref<8x32xi32, #tpu.memory_space<smem>>
    %c0_i32 = arith.constant 0 : i32
    %c0_i32_2 = arith.constant 0 : i32
    %c0_i32_3 = arith.constant 0 : i32
    return %get3A_1, %c0_i32, %c0_i32_2 : i32, i32, i32
  }
  func.func @transform_4(%arg0: i32, %arg1: memref<8x32xi32, #tpu.memory_space<smem>>) -> (i32, i32) {
    %c0_i32 = arith.constant 0 : i32
    %c0_i32_0 = arith.constant 0 : i32
    %c0_i32_1 = arith.constant 0 : i32
    return %c0_i32, %c0_i32_0 : i32, i32
  }
  func.func @transform_5(%arg0: i32, %arg1: memref<8x32xi32, #tpu.memory_space<smem>>) -> (i32, i32) {
    %c0_i32 = arith.constant 0 : i32
    %c0_i32_0 = arith.constant 0 : i32
    %c0_i32_1 = arith.constant 0 : i32
    return %c0_i32, %c0_i32_0 : i32, i32
  }
  func.func @transform_6(%arg0: i32, %arg1: memref<8x32xi32, #tpu.memory_space<smem>>) -> (i32, i32) {
    %c0_i32 = arith.constant 0 : i32
    %c0_i32_0 = arith.constant 0 : i32
    %c0_i32_1 = arith.constant 0 : i32
    return %c0_i32, %c0_i32_0 : i32, i32
  }
  func.func @transform_7(%arg0: i32, %arg1: memref<8x32xi32, #tpu.memory_space<smem>>) -> (i32, i32) {
    %get3A = arith.constant 0 : index
    %get3A_0 = arith.index_cast %arg0 : i32 to index
    %get3A_1 = memref.load %arg1[%get3A, %get3A_0] : memref<8x32xi32, #tpu.memory_space<smem>>
    %c0_i32 = arith.constant 0 : i32
    %c0_i32_2 = arith.constant 0 : i32
    return %get3A_1, %c0_i32 : i32, i32
  }
}

</mosaic_0001>

<sc_bundles>
// kernel: kernel.6.cloned.1.call-start
scs
__scs_entry_jumppad:
0x0: {  	(pc) =	sbr.rel $0x88, $3  }
0x1: {  	(tag) =	ssettag $0x0;
	lr =	simm.s32 $0x1  }
0x2: {  	[smem:$0x3F98] =	sst lr;
	_ =	strace $0xD0000000  }
0x3: {  	_ = 	snop  }
0x4: {  	_ = 	snop  }
0x5: {  	_ = 	snop  }
0x6: {  	_ = 	snop  }
0x7: {  	_ = 	snop  }
__scs_overlays_trampoline_lowered:
0x8: {  	[smem:$0x3FA7] =	sst s0  }
0x9: {  	[smem:$0x3FA8] =	sst s1  }
0xa: {  	[smem:$0x3FA9] =	sst s2  }
0xb: {  	[smem:$0x3FAA] =	sst s3  }
0xc: {  	[smem:$0x3FAB] =	sst s4  }
0xd: {  	[smem:$0x3FAC] =	sst s5  }
0xe: {  	[smem:$0x3FAD] =	sst s6  }
0xf: {  	[smem:$0x3FAE] =	sst s7  }
0x10: {  	[smem:$0x3FAF] =	sst s8  }
0x11: {  	[smem:$0x3FB0] =	sst s9;
	s0 =	simm.s32 @!p0 $0x0  }
0x12: {  	s1 =	sld [smem:$0x3F96];
	s0 =	simm.s32 @p0 $0x1  }
0x13: {  	[smem:$0x3FB1] =	sst s0;
	s0 =	simm.s32 @!p1 $0x0  }
0x14: {  	s2 =	sld [smem:$0x3F95];
	s0 =	simm.s32 @p1 $0x1  }
0x15: {  	[smem:$0x3FB2] =	sst s0;
	s0 =	simm.s32 @!p2 $0x0  }
0x16: {  	s3 =	sld [smem:$0x3FDB];
	s0 =	simm.s32 @p2 $0x1  }
0x17: {  	s4 =	simm.s32 $0x1BF5;
	[smem:$0x3FB4] =	sst s0  }
0x18: {  	s0 =	sld [smem:$0x3F97];
	_ =	swait.ge [sflag:s4], $0x0  }
0x19: {  	s7 =	sld [smem:$0x3F98]  }
0x1a: {  	s8 =	sadd.s32 $0xFFFFE003, lr  }
0x1b: {  	s9 =	sadd.s32 $0xFFFFFEF7, lr;
	s5 =	simm.s32 $0xFFFFFFFF;
	p2 =	slt.u32 s8, $0xFFFFF086  }
0x1c: {  	p1 =	slt.u32 s9, $0xF7A;
	s5 =	simm.s32 @!p2 $0x0  }
0x1d: {  	s5 =	simm.s32 @p1 $0x1;
	p0 =	seq.s32 s7, s2  }
0x1e: {  	s7 =	smul.u32 @!p0 $0xF7A, s2;
	p2 =	seq.s32 @!p0 s5, $0x0  }
0x1f: {  	s9 =	smul.u32 $0xF7A, s1;
	s8 =	simm.s32 @!p0 $0x1BF5;
	p2 =	por !p2, p0  }
0x20: {  	[sflag:s8] =	ssyncset.s32 @!p0 $0xFFFFF086;
	s6 =	sadd.s32 @!p0 s3, s7;
	s7 =	simm.s32 @!p0 $0x108  }
0x21: {  	s3 =	sadd.s32 s3, s9;
	s6 =	sadd.s32 @!p0 $0x88, s6;
	s7 =	simm.s32 @p2 $0x1082  }
0x22: {  	[simem:s7], [sflag:s8] =	dma.local @!p0 [hbm:s6], $0xF7A  }
0x23: {  	s9 =	sor.u32 $0xD0000000, s2;
	s6 =	simm.s32 $0x108;
	_ =	swait.ge @!p0 [sflag:s8], $0x0  }
0x24: {  	s3 =	sadd.s32 $0x88, s3;
	s6 =	simm.s32 @!p1 $0x1082;
	[sflag:s4] =	ssyncset.s32 $0xFFFFF086  }
0x25: {  	[simem:s6], [sflag:s4] =	dma.local [hbm:s3], $0xF7A  }
0x26: {  	[smem:$0x3F98] =	sst s1;
	(tag) =	ssettag s2;
	_ =	strace s9  }
0x27: {  	s1 =	sld [smem:$0x3FA8]  }
0x28: {  	s2 =	sld [smem:$0x3FA9]  }
0x29: {  	s4 =	sld [smem:$0x3FAB]  }
0x2a: {  	p0 =	seq.s32 s5, $0x0;
	s5 =	sld [smem:$0x3FAC]  }
0x2b: {  	s6 =	sld [smem:$0x3FAD]  }
0x2c: {  	s7 =	sld [smem:$0x3FAE]  }
0x2d: {  	s3 =	simm.s32 $0x108;
	s8 =	sld [smem:$0x3FAF]  }
0x2e: {  	s3 =	simm.s32 @!p0 $0x1082;
	s9 =	sld [smem:$0x3FB0]  }
0x2f: {  	lr =	sadd.s32 s0, s3;
	s0 =	sld [smem:$0x3FA7]  }
0x30: {  	s3 =	sld [smem:$0x3FAA]  }
0x31: {  	[smem:$0x3FB3] =	sst s10  }
0x32: {  	s10 =	sld [smem:$0x3FB1];
	_ =	sdelay $0x3  }
0x33: {  	p0 =	seq.s32 s10, $0x1;
	s10 =	sld [smem:$0x3FB3];
	_ =	sdelay $0x3  }
0x34: {  	[smem:$0x3FB3] =	sst s10  }
0x35: {  	s10 =	sld [smem:$0x3FB2];
	_ =	sdelay $0x3  }
0x36: {  	p1 =	seq.s32 s10, $0x1;
	s10 =	sld [smem:$0x3FB3];
	_ =	sdelay $0x3  }
0x37: {  	[smem:$0x3FB3] =	sst s10  }
0x38: {  	s10 =	sld [smem:$0x3FB4]  }
0x39: {  	_ = 	snop;
	(pc) =	sbr.ind lr, $3  }
0x3a: {  	_ = 	snop  }
0x3b: {  	_ = 	snop  }
0x3c: {  	p2 =	seq.s32 s10, $0x1;
	s10 =	sld [smem:$0x3FB3]  }
0x3d: {  	_ =	shalt  }
0x3e: {  	_ =	shalt  }
0x3f: {  	_ =	shalt  }
0x40: {  	_ =	shalt  }
0x41: {  	_ =	shalt  }
0x42: {  	_ =	shalt  }
0x43: {  	_ =	shalt  }
0x44: {  	_ =	shalt  }
0x45: {  	_ =	shalt  }
0x46: {  	_ =	shalt  }
0x47: {  	_ =	shalt  }
0x48: {  	_ =	shalt  }
0x49: {  	_ =	shalt  }
0x4a: {  	_ =	shalt  }
0x4b: {  	_ =	shalt  }
0x4c: {  	_ =	shalt  }
0x4d: {  	_ =	shalt  }
0x4e: {  	_ =	shalt  }
0x4f: {  	_ =	shalt  }
0x50: {  	_ =	shalt  }
0x51: {  	_ =	shalt  }
0x52: {  	_ =	shalt  }
0x53: {  	_ =	shalt  }
0x54: {  	_ =	shalt  }
0x55: {  	_ =	shalt  }
0x56: {  	_ =	shalt  }
0x57: {  	_ =	shalt  }
0x58: {  	_ =	shalt  }
0x59: {  	_ =	shalt  }
0x5a: {  	_ =	shalt  }
0x5b: {  	_ =	shalt  }
0x5c: {  	_ =	shalt  }
0x5d: {  	_ =	shalt  }
0x5e: {  	_ =	shalt  }
0x5f: {  	_ =	shalt  }
0x60: {  	_ =	shalt  }
0x61: {  	_ =	shalt  }
0x62: {  	_ =	shalt  }
0x63: {  	_ =	shalt  }
0x64: {  	_ =	shalt  }
0x65: {  	_ =	shalt  }
0x66: {  	_ =	shalt  }
0x67: {  	_ =	shalt  }
0x68: {  	_ =	shalt  }
0x69: {  	_ =	shalt  }
0x6a: {  	_ =	shalt  }
0x6b: {  	_ =	shalt  }
0x6c: {  	_ =	shalt  }
0x6d: {  	_ =	shalt  }
0x6e: {  	_ =	shalt  }
0x6f: {  	_ =	shalt  }
0x70: {  	_ =	shalt  }
0x71: {  	_ =	shalt  }
0x72: {  	_ =	shalt  }
0x73: {  	_ =	shalt  }
0x74: {  	_ =	shalt  }
0x75: {  	_ =	shalt  }
0x76: {  	_ =	shalt  }
0x77: {  	_ =	shalt  }
0x78: {  	_ =	shalt  }
0x79: {  	_ =	shalt  }
0x7a: {  	_ =	shalt  }
0x7b: {  	_ =	shalt  }
0x7c: {  	_ =	shalt  }
0x7d: {  	_ =	shalt  }
0x7e: {  	_ =	shalt  }
0x7f: {  	_ =	shalt  }
0x80: {  	_ =	shalt  }
0x81: {  	_ =	shalt  }
0x82: {  	_ =	shalt  }
0x83: {  	_ =	shalt  }
0x84: {  	_ =	shalt  }
0x85: {  	_ =	shalt  }
0x86: {  	_ =	shalt  }
0x87: {  	_ =	shalt  }
.Lfunc_end0:
.L_simem_size_0:
called_computation_lowered:
.L_overlay_start_0:
0x88: {  	s2 =	sld [smem:$0x3FD9]  }
0x89: {  	s3 =	sld [smem:$0x3FFE];
	_ =	sdelay $0x1  }
0x8a: {  	s1 =	srdreg.scid  }
0x8b: {  	s0 =	sand.u32 $0x1, s1  }
0x8c: {  	s14 =	sshll.u32 s0, $0xA;
	s2 =	sadd.s32 s3, s2  }
0x8d: {  	s2 =	sadd.s32 s2, s14  }
0x8e: {  	[smem:$0x3FBF] =	sst s2  }
0x8f: {  	_ = 	snop  }
0x90: {  	s2 =	sld [smem:$0x3FD0];
	_ =	sdelay $0x2  }
0x91: {  	s4 =	simm.s32 $0xA;
	s5 =	simm.s32 $0x10;
	s15 =	sld [smem:$0x3FC9]  }
0x92: {  	[smem:s5], [sflag:s4] =	dma.local [hbm:s2], $0x1  }
0x93: {  	_ =	swait.eq [sflag:s4], $0x1  }
0x94: {  	[sflag:s4] =	ssyncset.done $0x0  }
0x95: {  	[sflag:s4] =	ssyncadd.s32 $0xFFFFFFFF  }
0x96: {  	s16 =	sld [smem:$0x10];
	(tm) =	ssettm $0x1  }
0x97: {  	s17 =	sld [smem:$0x3FFB];
	_ =	sdelay $0x3  }
0x98: {  	_ =	strace s17  }
0x99: {  	s4 =	sld [smem:$0x3FFC];
	_ =	sdelay $0x3  }
0x9a: {  	_ =	strace s4  }
0x9b: {  	s4 =	sld [smem:$0x3FFD];
	_ =	sdelay $0x3  }
0x9c: {  	_ =	strace s4  }
0x9d: {  	_ =	strace $0x8FFFFFFF  }
0x9e: {  	s18 =	sld [smem:$0x3FDB];
	_ =	sdelay $0x1  }
0x9f: {  	s19 =	simm.s32 $_scs_section_size  }
0xa0: {  	s6 =	simm.s32 $_size__tile_overlayer_lowered;
	s7 =	simm.s32 $_tile_overlayer_lowered  }
0xa1: {  	s22 =	simm.s32 $0x1BFF;
	s21 =	sshll.u32 s7, $0x1;
	s4 =	sadd.s32 s19, s18  }
0xa2: {  	s8 =	simm.s32 $0x0;
	s20 =	sshll.u32 s6, $0x1;
	s6 =	sadd.s32 s21, s4  }
0xa3: {  	[timem:s8], [sflag:s22] =	dma.local [hbm:s6], s20  }
0xa4: {  	_ =	swait.ge [sflag:s22], s20  }
0xa5: {  	s5 =	ssub.s32 $0x0, s20;
	[sflag:s22] =	ssyncset.done $0x0  }
0xa6: {  	[sflag:s22] =	ssyncadd.s32 s5;
	_ =	sdelay $0x1  }
0xa7: {  	s23 =	simm.s32 $0x1B8B  }
0xa8: {  	_ =	swait.ge [sflag:s23], $0x1  }
0xa9: {  	[sflag:s23] =	ssyncset.done $0x0  }
0xaa: {  	s25 =	simm.s32 $0x1B8E;
	s24 =	sld [smem:$0x3FFE];
	[sflag:s23] =	ssyncadd.s32 $0xFFFFFFFF  }
0xab: {  	s26 =	simm.s32 $execute0_lowered;
	[smem:$0x3FD2] =	sst s25  }
0xac: {  	s6 =	sshll.u32 s26, $0x1;
	_ =	strace $0x80000046;
	[dreg:$0x1] =	wrdreg $0xFFFFFFFF  }
0xad: {  	s28 =	simm.s32 $_size_execute0_lowered;
	s4 =	sadd.s32 s4, s6;
	[dreg:$0x0] =	wrdreg $0x0  }
0xae: {  	s6 =	sshll.u32 s28, $0x1;
	[dreg:$0x2] =	wrdreg s4  }
0xaf: {  	[dreg:$0x3] =	wrdreg s6  }
0xb0: {  	[dreg:$0x4] =	wrdreg $0xC0  }
0xb1: {  	_ =	task [dreg:s8], $0x5FFFF  }
0xb2: {  	[dreg:$0x1] =	wrdreg $0xFFFFFFFF  }
0xb3: {  	[dreg:$0x0] =	wrdreg $0x60  }
0xb4: {  	[dreg:$0x2] =	wrdreg s15  }
0xb5: {  	[dreg:$0x3] =	wrdreg s24  }
0xb6: {  	[dreg:$0x4] =	wrdreg s16  }
0xb7: {  	[dreg:$0x5] =	wrdreg $0x9  }
0xb8: {  	_ =	task.clear_ibuf [dreg:s8], $0x6FFFF;
	_ =	strace $0x90000046  }
0xb9: {  	s29 =	simm.s32 $0x9;
	_ =	strace $0x80000048  }
0xba: {  	_ =	swait.ge [sflag:s29], $0x1  }
0xbb: {  	[sflag:s29] =	ssyncadd.s32 $0xFFFFFFFF  }
0xbc: {  	_ =	strace $0x90000048  }
0xbd: {  	_ =	sfence  }
0xbe: {  	s30 =	sld [smem:$0x0];
	_ =	sdelay $0x2  }
0xbf: {  	s31 =	sshll.u32 s1, $0xD;
	s1 =	sshrl.u32 s1, $0x2  }
0xc0: {  	s3 =	sand.u32 $0x4000, s31;
	s1 =	sadd.s32 s1, s30  }
0xc1: {  	s0 =	sor.u32 s3, s0;
	s1 =	sshll.u32 s1, $0x11  }
0xc2: {  	s0 =	sor.u32 s1, s0  }
0xc3: {  	s0 =	sadd.s32 $0x8F2B, s0  }
0xc4: {  	[sflag:s0] =	ssyncadd.remote.s32 $0x1  }
0xc5: {  	_ =	sfence.sel $0xFFFF  }
0xc6: {  	[dreg:$0x0] =	wrdreg $0xFFFFFFFF;
	(pc) =	sbr.abs _section_cstart, $3  }
0xc7: {  	[dreg:$0x1] =	wrdreg $0xFFFFFFFF  }
0xc8: {  	_ =	task.clear_ibuf [dreg:s8], $0x2FFFF;
	_ =	strace $0x9FFFFFFF  }
0xc9: {  	(tm) =	ssettm $0x7FFFFFFF  }
tec
execute0_lowered:
.L_overlay_start_1:
0x0: {  	(tag) =	ssettag $0x1  }
0x1: {  	s1 =	rddreg [dreg:$0x0]  }
0x2: {  	s0 =	rddreg [dreg:$0x1]  }
0x3: {  	s2 =	rddreg [dreg:$0x2]  }
0x4: {  	s3 =	srdreg.scid;
	s4 =	stileid.u32;
	s10 =	simm.s32 $0x2  }
0x5: {  	s11 =	simm.s32 $0x800;
	s12 =	simm.s32 $0x1080;
	s21 =	simm.s32 $0x5880  }
0x6: {  	s22 =	simm.s32 $0x6080;
	s23 =	simm.s32 $0x6880;
	s24 =	simm.s32 $0x7080  }
0x7: {  	s28 =	simm.s32 $0x8880;
	s29 =	simm.s32 $0x9080;
	s30 =	simm.s32 $0x9880  }
0x8: {  	s31 =	simm.s32 $0xA080;
	s13 =	simm.s32 $0xB880;
	s14 =	simm.s32 $0xC080  }
0x9: {  	s15 =	simm.s32 $0xC880;
	s16 =	simm.s32 $0x1;
	s17 =	simm.s32 $0x0  }
0xa: {  	s5 =	sand.u32 $0x1, s3;
	s3 =	simm.s32 $0x0;
	s4 =	sshll.u32 s4, $0x7  }
0xb: {  	s6 =	sshll.u32 s5, $0x6;
	[smem:$0x7FF] =	sst s3;
	s25 =	ssub.s32 $0x2, s5  }
0xc: {  	s5 =	sadd.s32 $0xC00, s0;
	s4 =	sor.u32 s6, s4;
	_ =	strace $0x80000047  }
0xd: {  	s26 =	sshrl.u32 s25, $0x1;
	s6 =	sadd.s32 $0x100, s1;
	s7 =	sshrl.u32 s4, $0x3  }
0xe: {  	v0 =	vlaneseq.u32;
	s0 =	ssub.s32 s25, s26;
	s25 =	simm.s32 $0x7880;
	s8 =	smul.u32 $0x300, s7  }
0xf: {  	vm0 =	vmmov $0xffff;
	v2 =	vshrl.u32 v0, $0x3;
	s26 =	simm.s32 $0x8080;
	s7 =	sadd.s32 $0x200, s1;
	s9 =	smax.u32 s0, $0x1  }
0x10: {  	v1 =	vand.u32 $0x7, v0;
	v3 =	vor.u32 $0x8, v0;
	v2 =	vmul.u32 $0x8, v2;
	s0 =	simm.s32 $0xA880;
	s8 =	sadd.s32 s2, s8;
	s2 =	simm.s32 $0xB080  }
.LBB2_1:
0x11: {  	[tilespmem:s3], [sflag:$0x2] =	stream.linear.gather [hbm4b:s5+s3], $0x800, $0x38;
	[tilespmem:$0xD080] =	vst v63  }
0x12: {  	_ =	swait.ge [sflag:s10], $0x800  }
0x13: {  	[sflag:s10] =	ssyncset.done $0x0  }
0x14: {  	[sflag:s10] =	ssyncadd.s32 $0xFFFFF800  }
0x15: {  	s18 =	simm.s32 $0x10;
	s19 =	simm.s32 $0x0;
	s20 =	simm.s32 $0x0;
	v4 =	vld [tilespmem:s3+$0x0]  }
.LBB2_2:
0x16: {  	p0 =	sne.s32 s18, $0x7F0;
	_ =	sdelay $0x3  }
.Ltmp0:
0x17: {  	(pc) =	sbr.rel @p0 .LBB2_2-.Ltmp0, $4  }
0x18: {  	_ = 	snop  }
0x19: {  	v5 =	vor.u32 s19, v0;
	s19 =	smov.u32 s18  }
0x1a: {  	s20 =	sadd.s32 $0x10, s20;
	[tilespmem:v4+s11+$0x0] =	vst.idx.msk $0xffff, v5  }
0x1b: {  	s18 =	sadd.s32 $0x10, s18;
	v4 =	vld [tilespmem:s20+$0x0]  }
0x1c: {  	_ =	sdelay $0x6  }
0x1d: {  	v5 =	vor.u32 s19, v0  }
0x1e: {  	[tilespmem:v4+s11+$0x0] =	vst.idx.msk $0xffff, v5  }
0x1f: {  	v4 =	vld [tilespmem:s4+$0x800];
	_ =	sdelay $0x4  }
0x20: {  	[tilespmem:$0x1000] =	vst v4  }
0x21: {  	v5 =	vld [tilespmem:s4+$0x810];
	_ =	sdelay $0x4  }
0x22: {  	[tilespmem:$0x1010] =	vst v5  }
0x23: {  	v5 =	vld [tilespmem:s4+$0x820]  }
0x24: {  	v6 =	vshrl.u32 v4, $0x3  }
0x25: {  	v6 =	vmul.u32 $0x30, v6  }
0x26: {  	v4 =	vand.u32 $0x7, v4  }
0x27: {  	v4 =	vor.u32 v4, v6  }
0x28: {  	[tilespmem:$0x1020] =	vst v5;
	v5 =	vperm.xlane v4, v1  }
0x29: {  	v63 =	vld [tilespmem:s4+$0x830]  }
0x2a: {  	v5 =	vadd.s32 v2, v5;
	_ =	sdelay $0x3  }
0x2b: {  	v4 =	vperm.xlane v4, v3;
	[tilespmem:$0x1030] =	vst v63  }
0x2c: {  	[tilespmem:s12], [sflag:$0x1] =	stream.indirect_vreg.gather [hbm4b:s1+s3], $0x80, v5, vm0, $0xb8;
	[tilespmem:$0xD080] =	vst v63  }
0x2d: {  	s18 =	simm.s32 $0x1880;
	v4 =	vadd.s32 v2, v4  }
0x2e: {  	[tilespmem:s18], [sflag:$0x1] =	stream.indirect_vreg.gather [hbm4b:s6+s3], $0x80, v5, vm0, $0xb8;
	[tilespmem:$0xD080] =	vst v63  }
0x2f: {  	s20 =	simm.s32 $0x2080  }
0x30: {  	[tilespmem:s20], [sflag:$0x1] =	stream.indirect_vreg.gather [hbm4b:s7+s3], $0x80, v5, vm0, $0xb8;
	[tilespmem:$0xD080] =	vst v63  }
0x31: {  	s19 =	simm.s32 $0x2880  }
0x32: {  	[tilespmem:s19], [sflag:$0x1] =	stream.indirect_vreg.gather [hbm4b:s1+s3], $0x80, v4, vm0, $0xb8;
	[tilespmem:$0xD080] =	vst v63  }
0x33: {  	s20 =	simm.s32 $0x3080  }
0x34: {  	[tilespmem:s20], [sflag:$0x1] =	stream.indirect_vreg.gather [hbm4b:s6+s3], $0x80, v4, vm0, $0xb8;
	[tilespmem:$0xD080] =	vst v63  }
0x35: {  	s19 =	simm.s32 $0x3880  }
0x36: {  	[tilespmem:s19], [sflag:$0x1] =	stream.indirect_vreg.gather [hbm4b:s7+s3], $0x80, v4, vm0, $0xb8;
	[tilespmem:$0xD080] =	vst v63  }
0x37: {  	v4 =	vld [tilespmem:$0x1010];
	_ =	sdelay $0x4  }
0x38: {  	v5 =	vshrl.u32 v4, $0x3  }
0x39: {  	v5 =	vmul.u32 $0x30, v5  }
0x3a: {  	v4 =	vand.u32 $0x7, v4  }
0x3b: {  	v4 =	vor.u32 v4, v5  }
0x3c: {  	v5 =	vperm.xlane v4, v1;
	_ =	sdelay $0x1  }
0x3d: {  	v5 =	vadd.s32 v2, v5;
	_ =	sdelay $0x3  }
0x3e: {  	s20 =	simm.s32 $0x4080;
	v4 =	vperm.xlane v4, v3  }
0x3f: {  	[tilespmem:s20], [sflag:$0x1] =	stream.indirect_vreg.gather [hbm4b:s1+s3], $0x80, v5, vm0, $0xb8;
	[tilespmem:$0xD080] =	vst v63  }
0x40: {  	s19 =	simm.s32 $0x4880;
	v4 =	vadd.s32 v2, v4  }
0x41: {  	[tilespmem:s19], [sflag:$0x1] =	stream.indirect_vreg.gather [hbm4b:s6+s3], $0x80, v5, vm0, $0xb8;
	[tilespmem:$0xD080] =	vst v63  }
0x42: {  	s20 =	simm.s32 $0x5080  }
0x43: {  	[tilespmem:s20], [sflag:$0x1] =	stream.indirect_vreg.gather [hbm4b:s7+s3], $0x80, v5, vm0, $0xb8;
	[tilespmem:$0xD080] =	vst v63  }
0x44: {  	_ = 	snop  }
0x45: {  	[tilespmem:s21], [sflag:$0x1] =	stream.indirect_vreg.gather [hbm4b:s1+s3], $0x80, v4, vm0, $0xb8;
	[tilespmem:$0xD080] =	vst v63  }
0x46: {  	_ = 	snop  }
0x47: {  	[tilespmem:s22], [sflag:$0x1] =	stream.indirect_vreg.gather [hbm4b:s6+s3], $0x80, v4, vm0, $0xb8;
	[tilespmem:$0xD080] =	vst v63  }
0x48: {  	_ = 	snop  }
0x49: {  	[tilespmem:s23], [sflag:$0x1] =	stream.indirect_vreg.gather [hbm4b:s7+s3], $0x80, v4, vm0, $0xb8;
	[tilespmem:$0xD080] =	vst v63  }
0x4a: {  	v4 =	vld [tilespmem:$0x1020];
	_ =	sdelay $0x4  }
0x4b: {  	v5 =	vshrl.u32 v4, $0x3  }
0x4c: {  	v5 =	vmul.u32 $0x30, v5  }
0x4d: {  	v4 =	vand.u32 $0x7, v4  }
0x4e: {  	v4 =	vor.u32 v4, v5  }
0x4f: {  	v5 =	vperm.xlane v4, v1;
	_ =	sdelay $0x1  }
0x50: {  	v5 =	vadd.s32 v2, v5;
	_ =	sdelay $0x3  }
0x51: {  	v4 =	vperm.xlane v4, v3  }
0x52: {  	[tilespmem:s24], [sflag:$0x1] =	stream.indirect_vreg.gather [hbm4b:s1+s3], $0x80, v5, vm0, $0xb8;
	[tilespmem:$0xD080] =	vst v63  }
0x53: {  	v4 =	vadd.s32 v2, v4  }
0x54: {  	[tilespmem:s25], [sflag:$0x1] =	stream.indirect_vreg.gather [hbm4b:s6+s3], $0x80, v5, vm0, $0xb8;
	[tilespmem:$0xD080] =	vst v63  }
0x55: {  	_ = 	snop  }
0x56: {  	[tilespmem:s26], [sflag:$0x1] =	stream.indirect_vreg.gather [hbm4b:s7+s3], $0x80, v5, vm0, $0xb8;
	[tilespmem:$0xD080] =	vst v63  }
0x57: {  	_ = 	snop  }
0x58: {  	[tilespmem:s28], [sflag:$0x1] =	stream.indirect_vreg.gather [hbm4b:s1+s3], $0x80, v4, vm0, $0xb8;
	[tilespmem:$0xD080] =	vst v63  }
0x59: {  	_ = 	snop  }
0x5a: {  	[tilespmem:s29], [sflag:$0x1] =	stream.indirect_vreg.gather [hbm4b:s6+s3], $0x80, v4, vm0, $0xb8;
	[tilespmem:$0xD080] =	vst v63  }
0x5b: {  	_ = 	snop  }
0x5c: {  	[tilespmem:s30], [sflag:$0x1] =	stream.indirect_vreg.gather [hbm4b:s7+s3], $0x80, v4, vm0, $0xb8;
	[tilespmem:$0xD080] =	vst v63  }
0x5d: {  	v4 =	vld [tilespmem:$0x1030];
	_ =	sdelay $0x4  }
0x5e: {  	v5 =	vshrl.u32 v4, $0x3  }
0x5f: {  	v5 =	vmul.u32 $0x30, v5  }
0x60: {  	v4 =	vand.u32 $0x7, v4  }
0x61: {  	v4 =	vor.u32 v4, v5  }
0x62: {  	v5 =	vperm.xlane v4, v1;
	_ =	sdelay $0x1  }
0x63: {  	v5 =	vadd.s32 v2, v5;
	_ =	sdelay $0x3  }
0x64: {  	v4 =	vperm.xlane v4, v3  }
0x65: {  	[tilespmem:s31], [sflag:$0x1] =	stream.indirect_vreg.gather [hbm4b:s1+s3], $0x80, v5, vm0, $0xb8;
	[tilespmem:$0xD080] =	vst v63  }
0x66: {  	v4 =	vadd.s32 v2, v4  }
0x67: {  	[tilespmem:s0], [sflag:$0x1] =	stream.indirect_vreg.gather [hbm4b:s6+s3], $0x80, v5, vm0, $0xb8;
	[tilespmem:$0xD080] =	vst v63  }
0x68: {  	_ = 	snop  }
0x69: {  	[tilespmem:s2], [sflag:$0x1] =	stream.indirect_vreg.gather [hbm4b:s7+s3], $0x80, v5, vm0, $0xb8;
	[tilespmem:$0xD080] =	vst v63  }
0x6a: {  	_ = 	snop  }
0x6b: {  	[tilespmem:s13], [sflag:$0x1] =	stream.indirect_vreg.gather [hbm4b:s1+s3], $0x80, v4, vm0, $0xb8;
	[tilespmem:$0xD080] =	vst v63  }
0x6c: {  	_ = 	snop  }
0x6d: {  	[tilespmem:s14], [sflag:$0x1] =	stream.indirect_vreg.gather [hbm4b:s6+s3], $0x80, v4, vm0, $0xb8;
	[tilespmem:$0xD080] =	vst v63  }
0x6e: {  	_ = 	snop  }
0x6f: {  	[tilespmem:s15], [sflag:$0x1] =	stream.indirect_vreg.gather [hbm4b:s7+s3], $0x80, v4, vm0, $0xb8;
	[tilespmem:$0xD080] =	vst v63  }
0x70: {  	s17 =	sadd.s32 $0x1, s17;
	_ =	swait.ge [sflag:s16], $0xC000  }
0x71: {  	p0 =	sne.s32 s17, s9;
	[sflag:s16] =	ssyncset.done $0x0  }
.Ltmp1:
0x72: {  	[sflag:s16] =	ssyncadd.s32 $0xFFFF4000;
	(pc) =	sbr.rel @p0 .LBB2_1-.Ltmp1, $4  }
0x73: {  	[hbm4b:s8+s3] =	stream.linear.scatter [tilespmem:s12], [sflag:$0x2], $0xC000, $0x38;
	[tilespmem:$0xD080] =	vst v63  }
0x74: {  	_ =	swait.ge [sflag:s10], $0xC000  }
0x75: {  	[sflag:s10] =	ssyncset.done $0x0  }
0x76: {  	[sflag:s10] =	ssyncadd.s32 $0xFFFF4000  }
0x77: {  	_ =	sfence.sel $0x180000  }
0x78: {  	[bflag:$0x0] =	sbarrier.arrive $0xFFFF  }
0x79: {  	_ =	strace $0x90000047  }
0x7a: {  	s0 =	stileid.u32;
	[bflag:$0x2] =	sbarrier.arrive $0xFFFF  }
0x7b: {  	p0 =	sne.s32 s0, $0x0;
	s0 =	rddreg [dreg:$0x3]  }
0x7c: {  	s0 =	sadd.s32 @!p0 $0x100000, s0  }
0x7d: {  	[sflag:s0] =	ssyncadd.tile.s32 @!p0 $0x1;
	_ =	shalt  }
.Lfunc_end2:
_tile_overlayer_lowered:
.L_overlay_start_2:
0x7e: {  	(tag) =	ssettag $0x2  }
0x7f: {  	s0 =	rddreg [dreg:$0x0];
	s2 =	stileid.u32  }
0x80: {  	s1 =	rddreg [dreg:$0x1];
	p0 =	sne.s32 s2, $0x0  }
0x81: {  	s3 =	rddreg [dreg:$0x2];
	[bflag:$0x3] =	sbarrier.arrive $0xFFFF;
	s2 =	simm.s32 @!p0 $0x1C02  }
0x82: {  	[timem:s3], [sflag:s2] =	dma.local @!p0 [hbm:s0], s1  }
0x83: {  	s0 =	simm.s32 @!p0 $0x2  }
0x84: {  	_ =	swait.ge @!p0 [sflag:s0], s1  }
0x85: {  	s1 =	ssub.s32 @!p0 $0x0, s1;
	[sflag:s0] =	ssyncset.done @!p0 $0x0  }
0x86: {  	[sflag:s0] =	ssyncadd.s32 @!p0 s1  }
0x87: {  	[bflag:$0x3] =	sbarrier.arrive $0xFFFF  }
0x88: {  	_ =	shalt  }

// kernel: kernel.9.cloned.1.call-start
scs
__scs_entry_jumppad:
0x0: {  	(pc) =	sbr.rel $0x88, $3  }
0x1: {  	(tag) =	ssettag $0x0;
	lr =	simm.s32 $0x1  }
0x2: {  	[smem:$0x3F98] =	sst lr;
	_ =	strace $0xD0000000  }
0x3: {  	_ = 	snop  }
0x4: {  	_ = 	snop  }
0x5: {  	_ = 	snop  }
0x6: {  	_ = 	snop  }
0x7: {  	_ = 	snop  }
__scs_overlays_trampoline_lowered:
0x8: {  	[smem:$0x3FA7] =	sst s0  }
0x9: {  	[smem:$0x3FA8] =	sst s1  }
0xa: {  	[smem:$0x3FA9] =	sst s2  }
0xb: {  	[smem:$0x3FAA] =	sst s3  }
0xc: {  	[smem:$0x3FAB] =	sst s4  }
0xd: {  	[smem:$0x3FAC] =	sst s5  }
0xe: {  	[smem:$0x3FAD] =	sst s6  }
0xf: {  	[smem:$0x3FAE] =	sst s7  }
0x10: {  	[smem:$0x3FAF] =	sst s8  }
0x11: {  	[smem:$0x3FB0] =	sst s9;
	s0 =	simm.s32 @!p0 $0x0  }
0x12: {  	s1 =	sld [smem:$0x3F96];
	s0 =	simm.s32 @p0 $0x1  }
0x13: {  	[smem:$0x3FB1] =	sst s0;
	s0 =	simm.s32 @!p1 $0x0  }
0x14: {  	s2 =	sld [smem:$0x3F95];
	s0 =	simm.s32 @p1 $0x1  }
0x15: {  	[smem:$0x3FB2] =	sst s0;
	s0 =	simm.s32 @!p2 $0x0  }
0x16: {  	s3 =	sld [smem:$0x3FDB];
	s0 =	simm.s32 @p2 $0x1  }
0x17: {  	s4 =	simm.s32 $0x1BF5;
	[smem:$0x3FB4] =	sst s0  }
0x18: {  	s0 =	sld [smem:$0x3F97];
	_ =	swait.ge [sflag:s4], $0x0  }
0x19: {  	s7 =	sld [smem:$0x3F98]  }
0x1a: {  	s8 =	sadd.s32 $0xFFFFE003, lr  }
0x1b: {  	s9 =	sadd.s32 $0xFFFFFEF7, lr;
	s5 =	simm.s32 $0xFFFFFFFF;
	p2 =	slt.u32 s8, $0xFFFFF086  }
0x1c: {  	p1 =	slt.u32 s9, $0xF7A;
	s5 =	simm.s32 @!p2 $0x0  }
0x1d: {  	s5 =	simm.s32 @p1 $0x1;
	p0 =	seq.s32 s7, s2  }
0x1e: {  	s7 =	smul.u32 @!p0 $0xF7A, s2;
	p2 =	seq.s32 @!p0 s5, $0x0  }
0x1f: {  	s9 =	smul.u32 $0xF7A, s1;
	s8 =	simm.s32 @!p0 $0x1BF5;
	p2 =	por !p2, p0  }
0x20: {  	[sflag:s8] =	ssyncset.s32 @!p0 $0xFFFFF086;
	s6 =	sadd.s32 @!p0 s3, s7;
	s7 =	simm.s32 @!p0 $0x108  }
0x21: {  	s3 =	sadd.s32 s3, s9;
	s6 =	sadd.s32 @!p0 $0x88, s6;
	s7 =	simm.s32 @p2 $0x1082  }
0x22: {  	[simem:s7], [sflag:s8] =	dma.local @!p0 [hbm:s6], $0xF7A  }
0x23: {  	s9 =	sor.u32 $0xD0000000, s2;
	s6 =	simm.s32 $0x108;
	_ =	swait.ge @!p0 [sflag:s8], $0x0  }
0x24: {  	s3 =	sadd.s32 $0x88, s3;
	s6 =	simm.s32 @!p1 $0x1082;
	[sflag:s4] =	ssyncset.s32 $0xFFFFF086  }
0x25: {  	[simem:s6], [sflag:s4] =	dma.local [hbm:s3], $0xF7A  }
0x26: {  	[smem:$0x3F98] =	sst s1;
	(tag) =	ssettag s2;
	_ =	strace s9  }
0x27: {  	s1 =	sld [smem:$0x3FA8]  }
0x28: {  	s2 =	sld [smem:$0x3FA9]  }
0x29: {  	s4 =	sld [smem:$0x3FAB]  }
0x2a: {  	p0 =	seq.s32 s5, $0x0;
	s5 =	sld [smem:$0x3FAC]  }
0x2b: {  	s6 =	sld [smem:$0x3FAD]  }
0x2c: {  	s7 =	sld [smem:$0x3FAE]  }
0x2d: {  	s3 =	simm.s32 $0x108;
	s8 =	sld [smem:$0x3FAF]  }
0x2e: {  	s3 =	simm.s32 @!p0 $0x1082;
	s9 =	sld [smem:$0x3FB0]  }
0x2f: {  	lr =	sadd.s32 s0, s3;
	s0 =	sld [smem:$0x3FA7]  }
0x30: {  	s3 =	sld [smem:$0x3FAA]  }
0x31: {  	[smem:$0x3FB3] =	sst s10  }
0x32: {  	s10 =	sld [smem:$0x3FB1];
	_ =	sdelay $0x3  }
0x33: {  	p0 =	seq.s32 s10, $0x1;
	s10 =	sld [smem:$0x3FB3];
	_ =	sdelay $0x3  }
0x34: {  	[smem:$0x3FB3] =	sst s10  }
0x35: {  	s10 =	sld [smem:$0x3FB2];
	_ =	sdelay $0x3  }
0x36: {  	p1 =	seq.s32 s10, $0x1;
	s10 =	sld [smem:$0x3FB3];
	_ =	sdelay $0x3  }
0x37: {  	[smem:$0x3FB3] =	sst s10  }
0x38: {  	s10 =	sld [smem:$0x3FB4]  }
0x39: {  	_ = 	snop;
	(pc) =	sbr.ind lr, $3  }
0x3a: {  	_ = 	snop  }
0x3b: {  	_ = 	snop  }
0x3c: {  	p2 =	seq.s32 s10, $0x1;
	s10 =	sld [smem:$0x3FB3]  }
0x3d: {  	_ =	shalt  }
0x3e: {  	_ =	shalt  }
0x3f: {  	_ =	shalt  }
0x40: {  	_ =	shalt  }
0x41: {  	_ =	shalt  }
0x42: {  	_ =	shalt  }
0x43: {  	_ =	shalt  }
0x44: {  	_ =	shalt  }
0x45: {  	_ =	shalt  }
0x46: {  	_ =	shalt  }
0x47: {  	_ =	shalt  }
0x48: {  	_ =	shalt  }
0x49: {  	_ =	shalt  }
0x4a: {  	_ =	shalt  }
0x4b: {  	_ =	shalt  }
0x4c: {  	_ =	shalt  }
0x4d: {  	_ =	shalt  }
0x4e: {  	_ =	shalt  }
0x4f: {  	_ =	shalt  }
0x50: {  	_ =	shalt  }
0x51: {  	_ =	shalt  }
0x52: {  	_ =	shalt  }
0x53: {  	_ =	shalt  }
0x54: {  	_ =	shalt  }
0x55: {  	_ =	shalt  }
0x56: {  	_ =	shalt  }
0x57: {  	_ =	shalt  }
0x58: {  	_ =	shalt  }
0x59: {  	_ =	shalt  }
0x5a: {  	_ =	shalt  }
0x5b: {  	_ =	shalt  }
0x5c: {  	_ =	shalt  }
0x5d: {  	_ =	shalt  }
0x5e: {  	_ =	shalt  }
0x5f: {  	_ =	shalt  }
0x60: {  	_ =	shalt  }
0x61: {  	_ =	shalt  }
0x62: {  	_ =	shalt  }
0x63: {  	_ =	shalt  }
0x64: {  	_ =	shalt  }
0x65: {  	_ =	shalt  }
0x66: {  	_ =	shalt  }
0x67: {  	_ =	shalt  }
0x68: {  	_ =	shalt  }
0x69: {  	_ =	shalt  }
0x6a: {  	_ =	shalt  }
0x6b: {  	_ =	shalt  }
0x6c: {  	_ =	shalt  }
0x6d: {  	_ =	shalt  }
0x6e: {  	_ =	shalt  }
0x6f: {  	_ =	shalt  }
0x70: {  	_ =	shalt  }
0x71: {  	_ =	shalt  }
0x72: {  	_ =	shalt  }
0x73: {  	_ =	shalt  }
0x74: {  	_ =	shalt  }
0x75: {  	_ =	shalt  }
0x76: {  	_ =	shalt  }
0x77: {  	_ =	shalt  }
0x78: {  	_ =	shalt  }
0x79: {  	_ =	shalt  }
0x7a: {  	_ =	shalt  }
0x7b: {  	_ =	shalt  }
0x7c: {  	_ =	shalt  }
0x7d: {  	_ =	shalt  }
0x7e: {  	_ =	shalt  }
0x7f: {  	_ =	shalt  }
0x80: {  	_ =	shalt  }
0x81: {  	_ =	shalt  }
0x82: {  	_ =	shalt  }
0x83: {  	_ =	shalt  }
0x84: {  	_ =	shalt  }
0x85: {  	_ =	shalt  }
0x86: {  	_ =	shalt  }
0x87: {  	_ =	shalt  }
.Lfunc_end0:
.L_simem_size_0:
called_computation.1_lowered:
.L_overlay_start_0:
0x88: {  	s2 =	sld [smem:$0x3FD9]  }
0x89: {  	s3 =	sld [smem:$0x3FFE];
	_ =	sdelay $0x1  }
0x8a: {  	s1 =	srdreg.scid  }
0x8b: {  	s0 =	sand.u32 $0x1, s1  }
0x8c: {  	s14 =	sshll.u32 s0, $0xA;
	s2 =	sadd.s32 s3, s2  }
0x8d: {  	s2 =	sadd.s32 s2, s14  }
0x8e: {  	[smem:$0x3FBF] =	sst s2  }
0x8f: {  	_ = 	snop  }
0x90: {  	s2 =	sld [smem:$0x3FD0];
	_ =	sdelay $0x2  }
0x91: {  	s15 =	simm.s32 $0xA;
	s4 =	simm.s32 $0x10  }
0x92: {  	[smem:s4], [sflag:s15] =	dma.local [hbm:s2], $0x1  }
0x93: {  	_ =	swait.eq [sflag:s15], $0x1  }
0x94: {  	[sflag:s15] =	ssyncset.done $0x0  }
0x95: {  	[sflag:s15] =	ssyncadd.s32 $0xFFFFFFFF  }
0x96: {  	s16 =	sld [smem:$0x10];
	(tm) =	ssettm $0x1  }
0x97: {  	s17 =	sld [smem:$0x3FFB];
	_ =	sdelay $0x3  }
0x98: {  	_ =	strace s17  }
0x99: {  	s3 =	sld [smem:$0x3FFC];
	_ =	sdelay $0x3  }
0x9a: {  	_ =	strace s3  }
0x9b: {  	s3 =	sld [smem:$0x3FFD];
	_ =	sdelay $0x3  }
0x9c: {  	_ =	strace s3  }
0x9d: {  	_ =	strace $0x8FFFFFFF  }
0x9e: {  	s18 =	sld [smem:$0x3FDB];
	_ =	sdelay $0x1  }
0x9f: {  	s19 =	simm.s32 $_scs_section_size  }
0xa0: {  	s5 =	simm.s32 $_size__tile_overlayer_lowered;
	s6 =	simm.s32 $_tile_overlayer_lowered  }
0xa1: {  	s22 =	simm.s32 $0x1BFF;
	s21 =	sshll.u32 s6, $0x1;
	s3 =	sadd.s32 s19, s18  }
0xa2: {  	s7 =	simm.s32 $0x0;
	s20 =	sshll.u32 s5, $0x1;
	s5 =	sadd.s32 s21, s3  }
0xa3: {  	[timem:s7], [sflag:s22] =	dma.local [hbm:s5], s20  }
0xa4: {  	_ =	swait.ge [sflag:s22], s20  }
0xa5: {  	s4 =	ssub.s32 $0x0, s20;
	[sflag:s22] =	ssyncset.done $0x0  }
0xa6: {  	[sflag:s22] =	ssyncadd.s32 s4;
	_ =	sdelay $0x1  }
0xa7: {  	s23 =	simm.s32 $0x1B8B  }
0xa8: {  	_ =	swait.ge [sflag:s23], $0x1  }
0xa9: {  	[sflag:s23] =	ssyncset.done $0x0  }
0xaa: {  	s25 =	simm.s32 $0x1B8E;
	s24 =	sld [smem:$0x3FFE];
	[sflag:s23] =	ssyncadd.s32 $0xFFFFFFFF  }
0xab: {  	s26 =	simm.s32 $execute0_lowered;
	[smem:$0x3FD2] =	sst s25  }
0xac: {  	s5 =	sshll.u32 s26, $0x1;
	_ =	strace $0x80000049;
	[dreg:$0x1] =	wrdreg $0xFFFFFFFF  }
0xad: {  	s28 =	simm.s32 $_size_execute0_lowered;
	s3 =	sadd.s32 s3, s5;
	[dreg:$0x0] =	wrdreg $0x0  }
0xae: {  	s5 =	sshll.u32 s28, $0x1;
	[dreg:$0x2] =	wrdreg s3  }
0xaf: {  	[dreg:$0x3] =	wrdreg s5  }
0xb0: {  	[dreg:$0x4] =	wrdreg $0xC0  }
0xb1: {  	_ =	task [dreg:s7], $0x5FFFF  }
0xb2: {  	[dreg:$0x1] =	wrdreg $0xFFFFFFFF  }
0xb3: {  	[dreg:$0x0] =	wrdreg $0x60  }
0xb4: {  	[dreg:$0x2] =	wrdreg s24  }
0xb5: {  	[dreg:$0x3] =	wrdreg s16  }
0xb6: {  	[dreg:$0x4] =	wrdreg $0x9  }
0xb7: {  	_ =	task.clear_ibuf [dreg:s7], $0x5FFFF;
	_ =	strace $0x90000049  }
0xb8: {  	s29 =	simm.s32 $0x9;
	_ =	strace $0x8000004B  }
0xb9: {  	_ =	swait.ge [sflag:s29], $0x1  }
0xba: {  	[sflag:s29] =	ssyncadd.s32 $0xFFFFFFFF  }
0xbb: {  	_ =	strace $0x9000004B  }
0xbc: {  	_ =	sfence  }
0xbd: {  	s30 =	sld [smem:$0x0];
	_ =	sdelay $0x2  }
0xbe: {  	s31 =	sshll.u32 s1, $0xD;
	s1 =	sshrl.u32 s1, $0x2  }
0xbf: {  	s3 =	sand.u32 $0x4000, s31;
	s1 =	sadd.s32 s1, s30  }
0xc0: {  	s0 =	sor.u32 s3, s0;
	s1 =	sshll.u32 s1, $0x11  }
0xc1: {  	s0 =	sor.u32 s1, s0  }
0xc2: {  	s0 =	sadd.s32 $0x8F2B, s0  }
0xc3: {  	[sflag:s0] =	ssyncadd.remote.s32 $0x1  }
0xc4: {  	_ =	sfence.sel $0xFFFF  }
0xc5: {  	[dreg:$0x0] =	wrdreg $0xFFFFFFFF;
	(pc) =	sbr.abs _section_cstart, $3  }
0xc6: {  	[dreg:$0x1] =	wrdreg $0xFFFFFFFF  }
0xc7: {  	_ =	task.clear_ibuf [dreg:s7], $0x2FFFF;
	_ =	strace $0x9FFFFFFF  }
0xc8: {  	(tm) =	ssettm $0x7FFFFFFF  }
0xc9: {  	_ =	shalt  }
tec
execute0_lowered:
.L_overlay_start_1:
0x0: {  	(tag) =	ssettag $0x1  }
0x1: {  	s0 =	rddreg [dreg:$0x0]  }
0x2: {  	s5 =	rddreg [dreg:$0x1];
	s3 =	srdreg.scid  }
0x3: {  	s2 =	simm.s32 $0x0;
	s1 =	stileid.u32;
	s26 =	simm.s32 $0x880  }
0x4: {  	s10 =	simm.s32 $0x1880;
	s11 =	simm.s32 $0x2080;
	s12 =	simm.s32 $0x2880  }
0x5: {  	s13 =	simm.s32 $0x3080;
	s14 =	simm.s32 $0x3880;
	s15 =	simm.s32 $0x4080  }
0x6: {  	s16 =	simm.s32 $0x4880;
	s17 =	simm.s32 $0x5080;
	s18 =	simm.s32 $0x5880  }
0x7: {  	s19 =	simm.s32 $0x6080;
	s20 =	simm.s32 $0x6880;
	s21 =	simm.s32 $0x7080  }
0x8: {  	s22 =	simm.s32 $0x7880;
	s28 =	simm.s32 $0xA080;
	s29 =	simm.s32 $0xA880  }
0x9: {  	s30 =	simm.s32 $0xB080;
	s31 =	simm.s32 $0xB880;
	s3 =	sand.u32 $0x1, s3  }
0xa: {  	[smem:$0x7FF] =	sst s2;
	s4 =	sshll.u32 s1, $0x4;
	s6 =	sshll.u32 s3, $0x3  }
0xb: {  	_ =	strace $0x8000004A;
	s23 =	ssub.s32 $0x2, s3;
	s3 =	sadd.s32 $0xE00, s0  }
0xc: {  	[dreg:$0x5] =	wrdreg s26;
	s26 =	simm.s32 $0x9880;
	s4 =	sor.u32 s6, s4  }
0xd: {  	s8 =	sshrl.u32 s23, $0x1;
	s7 =	sadd.s32 s4, s0;
	s9 =	smul.u32 $0x300, s4  }
0xe: {  	s6 =	ssub.s32 s23, s8;
	s4 =	sadd.s32 $0xF00, s0;
	s8 =	simm.s32 $0x80  }
0xf: {  	s23 =	simm.s32 $0x8080;
	s24 =	sadd.s32 $0xC00, s7;
	s6 =	smax.u32 s6, $0x1  }
0x10: {  	v2 =	vlaneseq.u32;
	s7 =	simm.s32 $0x2;
	[dreg:$0x3] =	wrdreg s24;
	s25 =	sadd.s32 s5, s9  }
0x11: {  	vm0 =	vmmov $0xffff;
	v1 =	vshrl.u32 v2, $0x3;
	s5 =	sadd.s32 $0x1000, s0;
	s9 =	simm.s32 $0x1080;
	s24 =	simm.s32 $0x8880  }
0x12: {  	v0 =	vand.u32 $0x7, v2;
	v2 =	vor.u32 $0x8, v2;
	v1 =	vmul.u32 $0x8, v1;
	s0 =	simm.s32 $0x1;
	[dreg:$0x4] =	wrdreg s25;
	s25 =	simm.s32 $0x9080  }
.LBB2_1:
0x13: {  	s1 =	rddreg [dreg:$0x3]  }
0x14: {  	[tilespmem:s2], [sflag:$0x2] =	stream.linear.gather [hbm4b:s1+s2], $0x40, $0x38;
	[tilespmem:$0xC080] =	vst v63  }
0x15: {  	_ =	swait.ge [sflag:s7], $0x40  }
0x16: {  	[sflag:s7] =	ssyncset.done $0x0  }
0x17: {  	[sflag:s7] =	ssyncadd.s32 $0xFFFFFFC0  }
0x18: {  	v3 =	vld [tilespmem:$0x0];
	_ =	sdelay $0x4  }
0x19: {  	v4 =	vshrl.u32 v3, $0x3  }
0x1a: {  	v4 =	vmul.u32 $0x30, v4  }
0x1b: {  	v3 =	vand.u32 $0x7, v3  }
0x1c: {  	v3 =	vor.u32 v3, v4  }
0x1d: {  	v4 =	vperm.xlane v3, v0;
	_ =	sdelay $0x1  }
0x1e: {  	v4 =	vadd.s32 v1, v4;
	_ =	sdelay $0x3  }
0x1f: {  	v3 =	vperm.xlane v3, v2  }
0x20: {  	[tilespmem:s8], [sflag:$0x1] =	stream.indirect_vreg.gather [hbm4b:s3+s2], $0x80, v4, vm0, $0xb8;
	[tilespmem:$0xC080] =	vst v63  }
0x21: {  	s1 =	rddreg [dreg:$0x5];
	v3 =	vadd.s32 v1, v3  }
0x22: {  	[tilespmem:s1], [sflag:$0x1] =	stream.indirect_vreg.gather [hbm4b:s4+s2], $0x80, v4, vm0, $0xb8;
	[tilespmem:$0xC080] =	vst v63  }
0x23: {  	_ = 	snop  }
0x24: {  	[tilespmem:s9], [sflag:$0x1] =	stream.indirect_vreg.gather [hbm4b:s5+s2], $0x80, v4, vm0, $0xb8;
	[tilespmem:$0xC080] =	vst v63  }
0x25: {  	_ = 	snop  }
0x26: {  	[tilespmem:s10], [sflag:$0x1] =	stream.indirect_vreg.gather [hbm4b:s3+s2], $0x80, v3, vm0, $0xb8;
	[tilespmem:$0xC080] =	vst v63  }
0x27: {  	_ = 	snop  }
0x28: {  	[tilespmem:s11], [sflag:$0x1] =	stream.indirect_vreg.gather [hbm4b:s4+s2], $0x80, v3, vm0, $0xb8;
	[tilespmem:$0xC080] =	vst v63  }
0x29: {  	_ = 	snop  }
0x2a: {  	[tilespmem:s12], [sflag:$0x1] =	stream.indirect_vreg.gather [hbm4b:s5+s2], $0x80, v3, vm0, $0xb8;
	[tilespmem:$0xC080] =	vst v63  }
0x2b: {  	v3 =	vld [tilespmem:$0x10];
	_ =	sdelay $0x4  }
0x2c: {  	v61 =	vshrl.u32 v3, $0x3  }
0x2d: {  	v4 =	vmul.u32 $0x30, v61  }
0x2e: {  	v3 =	vand.u32 $0x7, v3  }
0x2f: {  	v3 =	vor.u32 v3, v4  }
0x30: {  	v4 =	vperm.xlane v3, v0;
	_ =	sdelay $0x1  }
0x31: {  	v4 =	vadd.s32 v1, v4;
	_ =	sdelay $0x3  }
0x32: {  	v3 =	vperm.xlane v3, v2  }
0x33: {  	[tilespmem:s13], [sflag:$0x1] =	stream.indirect_vreg.gather [hbm4b:s3+s2], $0x80, v4, vm0, $0xb8;
	[tilespmem:$0xC080] =	vst v63  }
0x34: {  	v3 =	vadd.s32 v1, v3  }
0x35: {  	[tilespmem:s14], [sflag:$0x1] =	stream.indirect_vreg.gather [hbm4b:s4+s2], $0x80, v4, vm0, $0xb8;
	[tilespmem:$0xC080] =	vst v63  }
0x36: {  	_ = 	snop  }
0x37: {  	[tilespmem:s15], [sflag:$0x1] =	stream.indirect_vreg.gather [hbm4b:s5+s2], $0x80, v4, vm0, $0xb8;
	[tilespmem:$0xC080] =	vst v63  }
0x38: {  	_ = 	snop  }
0x39: {  	[tilespmem:s16], [sflag:$0x1] =	stream.indirect_vreg.gather [hbm4b:s3+s2], $0x80, v3, vm0, $0xb8;
	[tilespmem:$0xC080] =	vst v63  }
0x3a: {  	_ = 	snop  }
0x3b: {  	[tilespmem:s17], [sflag:$0x1] =	stream.indirect_vreg.gather [hbm4b:s4+s2], $0x80, v3, vm0, $0xb8;
	[tilespmem:$0xC080] =	vst v63  }
0x3c: {  	_ = 	snop  }
0x3d: {  	[tilespmem:s18], [sflag:$0x1] =	stream.indirect_vreg.gather [hbm4b:s5+s2], $0x80, v3, vm0, $0xb8;
	[tilespmem:$0xC080] =	vst v63  }
0x3e: {  	v3 =	vld [tilespmem:$0x20];
	_ =	sdelay $0x4  }
0x3f: {  	v62 =	vshrl.u32 v3, $0x3  }
0x40: {  	v4 =	vmul.u32 $0x30, v62  }
0x41: {  	v3 =	vand.u32 $0x7, v3  }
0x42: {  	v3 =	vor.u32 v3, v4  }
0x43: {  	v4 =	vperm.xlane v3, v0;
	_ =	sdelay $0x1  }
0x44: {  	v4 =	vadd.s32 v1, v4;
	_ =	sdelay $0x3  }
0x45: {  	v3 =	vperm.xlane v3, v2  }
0x46: {  	[tilespmem:s19], [sflag:$0x1] =	stream.indirect_vreg.gather [hbm4b:s3+s2], $0x80, v4, vm0, $0xb8;
	[tilespmem:$0xC080] =	vst v63  }
0x47: {  	v3 =	vadd.s32 v1, v3  }
0x48: {  	[tilespmem:s20], [sflag:$0x1] =	stream.indirect_vreg.gather [hbm4b:s4+s2], $0x80, v4, vm0, $0xb8;
	[tilespmem:$0xC080] =	vst v63  }
0x49: {  	_ = 	snop  }
0x4a: {  	[tilespmem:s21], [sflag:$0x1] =	stream.indirect_vreg.gather [hbm4b:s5+s2], $0x80, v4, vm0, $0xb8;
	[tilespmem:$0xC080] =	vst v63  }
0x4b: {  	_ = 	snop  }
0x4c: {  	[tilespmem:s22], [sflag:$0x1] =	stream.indirect_vreg.gather [hbm4b:s3+s2], $0x80, v3, vm0, $0xb8;
	[tilespmem:$0xC080] =	vst v63  }
0x4d: {  	_ = 	snop  }
0x4e: {  	[tilespmem:s23], [sflag:$0x1] =	stream.indirect_vreg.gather [hbm4b:s4+s2], $0x80, v3, vm0, $0xb8;
	[tilespmem:$0xC080] =	vst v63  }
0x4f: {  	_ = 	snop  }
0x50: {  	[tilespmem:s24], [sflag:$0x1] =	stream.indirect_vreg.gather [hbm4b:s5+s2], $0x80, v3, vm0, $0xb8;
	[tilespmem:$0xC080] =	vst v63  }
0x51: {  	v3 =	vld [tilespmem:$0x30];
	_ =	sdelay $0x4  }
0x52: {  	v63 =	vshrl.u32 v3, $0x3  }
0x53: {  	v4 =	vmul.u32 $0x30, v63  }
0x54: {  	v3 =	vand.u32 $0x7, v3  }
0x55: {  	v3 =	vor.u32 v3, v4  }
0x56: {  	v4 =	vperm.xlane v3, v0;
	_ =	sdelay $0x1  }
0x57: {  	v4 =	vadd.s32 v1, v4;
	_ =	sdelay $0x3  }
0x58: {  	v3 =	vperm.xlane v3, v2  }
0x59: {  	[tilespmem:s25], [sflag:$0x1] =	stream.indirect_vreg.gather [hbm4b:s3+s2], $0x80, v4, vm0, $0xb8;
	[tilespmem:$0xC080] =	vst v63  }
0x5a: {  	v3 =	vadd.s32 v1, v3  }
0x5b: {  	[tilespmem:s26], [sflag:$0x1] =	stream.indirect_vreg.gather [hbm4b:s4+s2], $0x80, v4, vm0, $0xb8;
	[tilespmem:$0xC080] =	vst v63  }
0x5c: {  	_ = 	snop  }
0x5d: {  	[tilespmem:s28], [sflag:$0x1] =	stream.indirect_vreg.gather [hbm4b:s5+s2], $0x80, v4, vm0, $0xb8;
	[tilespmem:$0xC080] =	vst v63  }
0x5e: {  	_ = 	snop  }
0x5f: {  	[tilespmem:s29], [sflag:$0x1] =	stream.indirect_vreg.gather [hbm4b:s3+s2], $0x80, v3, vm0, $0xb8;
	[tilespmem:$0xC080] =	vst v63  }
0x60: {  	_ = 	snop  }
0x61: {  	[tilespmem:s30], [sflag:$0x1] =	stream.indirect_vreg.gather [hbm4b:s4+s2], $0x80, v3, vm0, $0xb8;
	[tilespmem:$0xC080] =	vst v63  }
0x62: {  	_ = 	snop  }
0x63: {  	[tilespmem:s31], [sflag:$0x1] =	stream.indirect_vreg.gather [hbm4b:s5+s2], $0x80, v3, vm0, $0xb8;
	[tilespmem:$0xC080] =	vst v63  }
0x64: {  	_ =	swait.ge [sflag:s0], $0xC000  }
0x65: {  	p0 =	sne.s32 s6, $0x1;
	[sflag:s0] =	ssyncset.done $0x0  }
.Ltmp0:
0x66: {  	s1 =	rddreg [dreg:$0x4];
	[sflag:s0] =	ssyncadd.s32 $0xFFFF4000;
	(pc) =	sbr.rel @p0 .LBB2_1-.Ltmp0, $4  }
0x67: {  	[hbm4b:s1+s2] =	stream.linear.scatter [tilespmem:s8], [sflag:$0x2], $0xC000, $0x38;
	[tilespmem:$0xC080] =	vst v63  }
0x68: {  	_ =	swait.ge [sflag:s7], $0xC000  }
0x69: {  	[sflag:s7] =	ssyncset.done $0x0  }
0x6a: {  	s6 =	sadd.s32 $0xFFFFFFFF, s6;
	[sflag:s7] =	ssyncadd.s32 $0xFFFF4000  }
0x6b: {  	_ =	sfence.sel $0x180000  }
0x6c: {  	[bflag:$0x0] =	sbarrier.arrive $0xFFFF  }
0x6d: {  	_ =	strace $0x9000004A  }
0x6e: {  	s0 =	stileid.u32;
	[bflag:$0x2] =	sbarrier.arrive $0xFFFF  }
0x6f: {  	p0 =	sne.s32 s0, $0x0;
	s0 =	rddreg [dreg:$0x2]  }
0x70: {  	s0 =	sadd.s32 @!p0 $0x100000, s0  }
0x71: {  	[sflag:s0] =	ssyncadd.tile.s32 @!p0 $0x1;
	_ =	shalt  }
.Lfunc_end2:
_tile_overlayer_lowered:
.L_overlay_start_2:
0x72: {  	(tag) =	ssettag $0x2  }
0x73: {  	s0 =	rddreg [dreg:$0x0];
	s2 =	stileid.u32  }
0x74: {  	s1 =	rddreg [dreg:$0x1];
	p0 =	sne.s32 s2, $0x0  }
0x75: {  	s3 =	rddreg [dreg:$0x2];
	[bflag:$0x3] =	sbarrier.arrive $0xFFFF;
	s2 =	simm.s32 @!p0 $0x1C02  }
0x76: {  	[timem:s3], [sflag:s2] =	dma.local @!p0 [hbm:s0], s1  }
0x77: {  	s0 =	simm.s32 @!p0 $0x2  }
0x78: {  	_ =	swait.ge @!p0 [sflag:s0], s1  }
0x79: {  	s1 =	ssub.s32 @!p0 $0x0, s1;
	[sflag:s0] =	ssyncset.done @!p0 $0x0  }
0x7a: {  	[sflag:s0] =	ssyncadd.s32 @!p0 s1  }
0x7b: {  	[bflag:$0x3] =	sbarrier.arrive $0xFFFF  }
0x7c: {  	_ =	shalt  }

</sc_bundles>
